<compile_context>
chip_gen: v7x
topology: tpu7x:2x2x1
jax: 0.10.2.dev20260603
libtpu: 0.0.44.dev20260713+nightly
codegen_flags: <defaults>
</compile_context>

<pallas_src>
import functools

import jax
import jax.numpy as jnp
from jax import lax
from jax.experimental import pallas as pl
from jax.experimental.pallas import tpu as pltpu
from jax.experimental.pallas import tpu_sc as plsc

_L = 4096
_B = 128
_NDIAG = 2 * _B + 1
_W = 3 * _B
_BASE0 = _B * _L + ((-_B - 1) * _B) // 2
_NW = 32


def _sc_repack_body(wp_hbm, wpad_hbm, vbuf, rbuf, sem):
    cid = lax.axis_index("c")
    sid = lax.axis_index("s")
    wid = sid * 2 + cid

    lane16 = lax.iota(jnp.int32, 16)

    def do_diag(j):
        off = j - _B
        base_neg = (off + _B) * _L + ((off - _B - 1) * (off + _B)) // 2
        base_pos = _BASE0 + _L * off - (off * (off - 1)) // 2
        base = jnp.where(off <= 0, base_neg, base_pos)
        sstart = base + jnp.minimum(off, 0) + _B
        a8 = (sstart // 8) * 8
        m8 = sstart - a8
        rlo = jnp.maximum(0, -off)
        rhi = _L - jnp.maximum(0, off)
        pltpu.sync_copy(wp_hbm.at[pl.ds(a8, _L + 8)], vbuf)

        def edge_chunk(k, _):
            v = vbuf[pl.ds(m8 + 16 * k, 16)]
            r = 16 * k + lane16
            rbuf[pl.ds(16 * k, 16)] = jnp.where((r >= rlo) & (r < rhi), v, 0.0)
            return 0

        def mid_chunk(k, _):
            rbuf[pl.ds(16 * k, 16)] = vbuf[pl.ds(m8 + 16 * k, 16)]
            return 0

        lax.fori_loop(0, 8, edge_chunk, 0, unroll=8)
        lax.fori_loop(8, 248, mid_chunk, 0, unroll=16)
        lax.fori_loop(248, 256, edge_chunk, 0, unroll=8)
        pltpu.sync_copy(rbuf, wpad_hbm.at[j])

    def diag_loop(t, _):
        do_diag(wid + _NW * t)
        return 0

    lax.fori_loop(0, jnp.where(wid < _NDIAG - 8 * _NW, 9, 8), diag_loop, 0)

    def zero_chunk(k, _):
        rbuf[pl.ds(16 * k, 16)] = jnp.zeros((16,), jnp.float32)
        return 0

    lax.fori_loop(0, 256, zero_chunk, 0, unroll=16)

    def zero_row(t, _):
        pltpu.sync_copy(rbuf, wpad_hbm.at[_NDIAG + wid + _NW * t])
        return 0

    lax.fori_loop(0, jnp.where(wid < (_W - _NDIAG) - 3 * _NW, 4, 3), zero_row, 0)


def _expand_kernel(wpad_ref, out_ref):
    b = pl.program_id(0)
    t = jnp.swapaxes(wpad_ref[...], 0, 1)
    delta = jnp.where(b == 0, _W - _B, jnp.where(b == _L // _B - 1, _B, 0))
    x = pltpu.roll(t, delta, axis=1)
    x = pltpu.roll(x, 0, axis=1, stride=1, stride_axis=0)

    @pl.when(b < 4)
    def _():
        out_ref[...] = jnp.zeros((_B, _L), jnp.float32)

    @pl.when(b >= 4)
    def _():
        z0 = _B * jnp.clip(b - 5, 0, 26)
        out_ref[:, pl.ds(z0, 6 * _B)] = jnp.zeros((_B, 6 * _B), jnp.float32)

    w0 = _B * jnp.clip(b - 1, 0, (_L - _W) // _B)
    out_ref[:, pl.ds(w0, _W)] = x


def kernel(banded_weight):
    wp1 = jnp.pad(banded_weight.astype(jnp.float32), ((0, 0), (_B, 512)))[0]
    repack = functools.partial(
        pl.kernel,
        mesh=plsc.VectorSubcoreMesh(core_axis_name="c", subcore_axis_name="s"),
        out_type=jax.ShapeDtypeStruct((_W, _L), jnp.float32),
        scratch_types=[
            pltpu.VMEM((_L + 8,), jnp.float32),
            pltpu.VMEM((_L,), jnp.float32),
            pltpu.SemaphoreType.DMA,
        ],
    )(_sc_repack_body)
    wpad = repack(wp1)
    out = pl.pallas_call(
        _expand_kernel,
        grid=(_L // _B,),
        in_specs=[pl.BlockSpec((_W, _B), lambda i: (0, i))],
        out_specs=pl.BlockSpec((_B, _L), lambda i: (i, 0)),
        out_shape=jax.ShapeDtypeStruct((_L, _L), jnp.float32),
    )(wpad)
    return out

# --- scband reference (transcript-rebuilt; emitter-appended) ---
"""Pipeline reference for scband-banded-koopman-matrix-78151224918397 (READ-ONLY COPY).

The authoritative reference and input builder live on the scoring server;
editing this copy changes nothing except your own understanding.
"""

import jax, jax.numpy as jnp
import numpy as np

LATENT_DIM = 4096
BANDWIDTH = 128


def _diag_indices(L, b):
    rows = []
    cols = []
    for off in range(-b, b + 1):
        n = L - abs(off)
        i = np.arange(n)
        if off >= 0:
            rows.append(i)
            cols.append(i + off)
        else:
            rows.append(i - off)
            cols.append(i)
    return np.concatenate(rows).astype(np.int32), np.concatenate(cols).astype(np.int32)


_ROWS, _COLS = _diag_indices(LATENT_DIM, BANDWIDTH)


def setup_inputs(seed: int = 0) -> dict:
    key = jax.random.key(seed)
    num_banded_params = sum(LATENT_DIM - abs(i) for i in range(-BANDWIDTH, BANDWIDTH + 1))
    # nn.Linear(num_banded_params, 1) weight has shape [1, num_banded_params]
    bound = 1.0 / np.sqrt(num_banded_params)
    banded_weight = jax.random.uniform(
        key, (1, num_banded_params), dtype=jnp.float32, minval=-bound, maxval=bound
    )
    return {"banded_weight": banded_weight}


def reference(banded_weight):
    # kmatrix(): zeros(L, L); for each offset in [-b, b], overwrite the
    # diagonal with the next contiguous slice of banded_params.weight[0].
    # Equivalent to a single scatter-overwrite at precomputed (row, col) indices
    # laid out in the same offset-major order as the torch loop.
    rows = jnp.asarray(_ROWS)
    cols = jnp.asarray(_COLS)
    kmatrix = jnp.zeros((LATENT_DIM, LATENT_DIM), dtype=banded_weight.dtype)
    kmatrix = kmatrix.at[rows, cols].set(banded_weight[0])
    return kmatrix

if __name__ == "__main__":
    import jax
    _d = setup_inputs()
    print(jax.jit(kernel)(*tuple(_d.values())))

</pallas_src>

<mosaic_0001>
#map = affine_map<(d0, d1) -> (0)>
#map1 = affine_map<(d0, d1) -> (0, 0)>
module attributes {stable_mosaic.version = 14 : i64} {
  func.func @_sc_repack_body(%arg0: i32, %arg1: i32, %arg2: memref<1036800xf32, #tpu.memory_space<hbm>>, %arg3: memref<384x4096xf32, #tpu.memory_space<hbm>>, %arg4: memref<4104xf32, #tpu.memory_space<vmem>>, %arg5: memref<4096xf32, #tpu.memory_space<vmem>>, %arg6: memref<!tpu.dma_semaphore, #tpu.memory_space<semaphore_mem>>) attributes {dimension_semantics = [#tpu.dimension_semantics<core_parallel>, #tpu.dimension_semantics<subcore_parallel>], iteration_bounds = array<i64: 2, 16>, scalar_prefetch = 0 : i64, scratch_operands = 3 : i64, tpu.core_type = #tpu.core_type<sc_vector_subcore>, window_params = [{transform_indices = #map}, {transform_indices = #map1}]} {
    %mul3A = arith.constant 2 : i32
    %mul3A_0 = arith.muli %arg1, %mul3A : i32
    %add3A = arith.addi %mul3A_0, %arg0 : i32
    %iota3A = tpu.iota {dimensions = array<i32: 0>} : vector<16xi32>
    %lt3A = arith.constant 1 : i32
    %lt3A_1 = arith.cmpi slt, %add3A, %lt3A : i32
    %jit3A = arith.constant 9 : i32
    %jit3A_2 = arith.constant 8 : i32
    %select_n3A = arith.select %lt3A_1, %jit3A, %jit3A_2 : i32
    %while3A = arith.constant 0 : i32
    %while3A_3 = arith.constant 0 : i32
    %while3A_4 = arith.subi %select_n3A, %while3A : i32
    %while3A_5 = arith.addi %while3A, %while3A_4 : i32
    %while3A_6 = arith.constant 1 : i32
    %while3A_7 = arith.divsi %while3A_4, %while3A_6 : i32
    %while3A_8 = arith.muli %while3A_7, %while3A_6 : i32
    %while3A_9 = arith.addi %while3A, %while3A_8 : i32
    %while3A_10 = arith.constant 1 : i32
    %while3A_11 = scf.for %while3A_37 = %while3A to %while3A_9 step %while3A_10 iter_args(%while3A_38 = %while3A_3) -> (i32)  : i32 {
      %mul3A_39 = arith.constant 32 : i32
      %mul3A_40 = arith.muli %mul3A_39, %while3A_37 : i32
      %add3A_41 = arith.addi %add3A, %mul3A_40 : i32
      %sub3A = arith.constant 128 : i32
      %sub3A_42 = arith.subi %add3A_41, %sub3A : i32
      %add3A_43 = arith.constant 128 : i32
      %add3A_44 = arith.addi %sub3A_42, %add3A_43 : i32
      %mul3A_45 = arith.constant 4096 : i32
      %mul3A_46 = arith.muli %add3A_44, %mul3A_45 : i32
      %sub3A_47 = arith.constant 128 : i32
      %sub3A_48 = arith.subi %sub3A_42, %sub3A_47 : i32
      %sub3A_49 = arith.constant 1 : i32
      %sub3A_50 = arith.subi %sub3A_48, %sub3A_49 : i32
      %add3A_51 = arith.constant 128 : i32
      %add3A_52 = arith.addi %sub3A_42, %add3A_51 : i32
      %mul3A_53 = arith.muli %sub3A_50, %add3A_52 : i32
      %jit3A_54 = arith.constant 2 : i32
      %div3A = arith.divsi %mul3A_53, %jit3A_54 : i32
      %sign3A = arith.constant 0 : i32
      %sign3A_55 = arith.cmpi sgt, %mul3A_53, %sign3A : i32
      %sign3A_56 = arith.extui %sign3A_55 : i1 to i32
      %sign3A_57 = arith.constant 0 : i32
      %sign3A_58 = arith.cmpi slt, %mul3A_53, %sign3A_57 : i32
      %sign3A_59 = arith.extui %sign3A_58 : i1 to i32
      %sign3A_60 = arith.subi %sign3A_56, %sign3A_59 : i32
      %sign3A_61 = arith.constant 0 : i32
      %sign3A_62 = arith.cmpi sgt, %jit3A_54, %sign3A_61 : i32
      %sign3A_63 = arith.extui %sign3A_62 : i1 to i32
      %sign3A_64 = arith.constant 0 : i32
      %sign3A_65 = arith.cmpi slt, %jit3A_54, %sign3A_64 : i32
      %sign3A_66 = arith.extui %sign3A_65 : i1 to i32
      %sign3A_67 = arith.subi %sign3A_63, %sign3A_66 : i32
      %ne3A = arith.cmpi ne, %sign3A_60, %sign3A_67 : i32
      %rem3A = arith.remsi %mul3A_53, %jit3A_54 : i32
      %ne3A_68 = arith.constant 0 : i32
      %ne3A_69 = arith.cmpi ne, %rem3A, %ne3A_68 : i32
      %and3A = arith.andi %ne3A, %ne3A_69 : i1
      %sub3A_70 = arith.constant 1 : i32
      %sub3A_71 = arith.subi %div3A, %sub3A_70 : i32
      %select_n3A_72 = arith.select %and3A, %sub3A_71, %div3A : i32
      %add3A_73 = arith.addi %mul3A_46, %select_n3A_72 : i32
      %mul3A_74 = arith.constant 4096 : i32
      %mul3A_75 = arith.muli %mul3A_74, %sub3A_42 : i32
      %add3A_76 = arith.constant 516032 : i32
      %add3A_77 = arith.addi %add3A_76, %mul3A_75 : i32
      %sub3A_78 = arith.constant 1 : i32
      %sub3A_79 = arith.subi %sub3A_42, %sub3A_78 : i32
      %mul3A_80 = arith.muli %sub3A_42, %sub3A_79 : i32
      %jit3A_81 = arith.constant 2 : i32
      %div3A_82 = arith.divsi %mul3A_80, %jit3A_81 : i32
      %sign3A_83 = arith.constant 0 : i32
      %sign3A_84 = arith.cmpi sgt, %mul3A_80, %sign3A_83 : i32
      %sign3A_85 = arith.extui %sign3A_84 : i1 to i32
      %sign3A_86 = arith.constant 0 : i32
      %sign3A_87 = arith.cmpi slt, %mul3A_80, %sign3A_86 : i32
      %sign3A_88 = arith.extui %sign3A_87 : i1 to i32
      %sign3A_89 = arith.subi %sign3A_85, %sign3A_88 : i32
      %sign3A_90 = arith.constant 0 : i32
      %sign3A_91 = arith.cmpi sgt, %jit3A_81, %sign3A_90 : i32
      %sign3A_92 = arith.extui %sign3A_91 : i1 to i32
      %sign3A_93 = arith.constant 0 : i32
      %sign3A_94 = arith.cmpi slt, %jit3A_81, %sign3A_93 : i32
      %sign3A_95 = arith.extui %sign3A_94 : i1 to i32
      %sign3A_96 = arith.subi %sign3A_92, %sign3A_95 : i32
      %ne3A_97 = arith.cmpi ne, %sign3A_89, %sign3A_96 : i32
      %rem3A_98 = arith.remsi %mul3A_80, %jit3A_81 : i32
      %ne3A_99 = arith.constant 0 : i32
      %ne3A_100 = arith.cmpi ne, %rem3A_98, %ne3A_99 : i32
      %and3A_101 = arith.andi %ne3A_97, %ne3A_100 : i1
      %sub3A_102 = arith.constant 1 : i32
      %sub3A_103 = arith.subi %div3A_82, %sub3A_102 : i32
      %select_n3A_104 = arith.select %and3A_101, %sub3A_103, %div3A_82 : i32
      %sub3A_105 = arith.subi %add3A_77, %select_n3A_104 : i32
      %le3A = arith.constant 0 : i32
      %le3A_106 = arith.cmpi sle, %sub3A_42, %le3A : i32
      %select_n3A_107 = arith.select %le3A_106, %add3A_73, %sub3A_105 : i32
      %min3A = arith.constant 0 : i32
      %min3A_108 = arith.minsi %sub3A_42, %min3A : i32
      %add3A_109 = arith.addi %select_n3A_107, %min3A_108 : i32
      %add3A_110 = arith.constant 128 : i32
      %add3A_111 = arith.addi %add3A_109, %add3A_110 : i32
      %jit3A_112 = arith.constant 8 : i32
      %div3A_113 = arith.divsi %add3A_111, %jit3A_112 : i32
      %sign3A_114 = arith.constant 0 : i32
      %sign3A_115 = arith.cmpi sgt, %add3A_111, %sign3A_114 : i32
      %sign3A_116 = arith.extui %sign3A_115 : i1 to i32
      %sign3A_117 = arith.constant 0 : i32
      %sign3A_118 = arith.cmpi slt, %add3A_111, %sign3A_117 : i32
      %sign3A_119 = arith.extui %sign3A_118 : i1 to i32
      %sign3A_120 = arith.subi %sign3A_116, %sign3A_119 : i32
      %sign3A_121 = arith.constant 0 : i32
      %sign3A_122 = arith.cmpi sgt, %jit3A_112, %sign3A_121 : i32
      %sign3A_123 = arith.extui %sign3A_122 : i1 to i32
      %sign3A_124 = arith.constant 0 : i32
      %sign3A_125 = arith.cmpi slt, %jit3A_112, %sign3A_124 : i32
      %sign3A_126 = arith.extui %sign3A_125 : i1 to i32
      %sign3A_127 = arith.subi %sign3A_123, %sign3A_126 : i32
      %ne3A_128 = arith.cmpi ne, %sign3A_120, %sign3A_127 : i32
      %rem3A_129 = arith.remsi %add3A_111, %jit3A_112 : i32
      %ne3A_130 = arith.constant 0 : i32
      %ne3A_131 = arith.cmpi ne, %rem3A_129, %ne3A_130 : i32
      %and3A_132 = arith.andi %ne3A_128, %ne3A_131 : i1
      %sub3A_133 = arith.constant 1 : i32
      %sub3A_134 = arith.subi %div3A_113, %sub3A_133 : i32
      %select_n3A_135 = arith.select %and3A_132, %sub3A_134, %div3A_113 : i32
      %mul3A_136 = arith.constant 8 : i32
      %mul3A_137 = arith.muli %select_n3A_135, %mul3A_136 : i32
      %sub3A_138 = arith.subi %add3A_111, %mul3A_137 : i32
      %neg3A = arith.constant 0 : i32
      %neg3A_139 = arith.subi %neg3A, %sub3A_42 : i32
      %max3A = arith.constant 0 : i32
      %max3A_140 = arith.maxsi %max3A, %neg3A_139 : i32
      %max3A_141 = arith.constant 0 : i32
      %max3A_142 = arith.maxsi %max3A_141, %sub3A_42 : i32
      %sub3A_143 = arith.constant 4096 : i32
      %sub3A_144 = arith.subi %sub3A_143, %max3A_142 : i32
      "tpu.region"() ({
        %run_scoped3A = tpu.sem_alloc : memref<!tpu.dma_semaphore, #tpu.memory_space<semaphore_mem>>
        %dma_start3A = tpu.memref_slice %arg2[%mul3A_137] : memref<1036800xf32, #tpu.memory_space<hbm>> -> memref<4104xf32, #tpu.memory_space<hbm>>
        %dma_start3A_569 = tpu.memref_slice %arg2[%mul3A_137] : memref<1036800xf32, #tpu.memory_space<hbm>> -> memref<4104xf32, #tpu.memory_space<hbm>>
        tpu.enqueue_dma source(%dma_start3A_569 : memref<4104xf32, #tpu.memory_space<hbm>>) target(%arg4 : memref<4104xf32, #tpu.memory_space<vmem>>) target_semaphore(%run_scoped3A : memref<!tpu.dma_semaphore, #tpu.memory_space<semaphore_mem>>)
        %dma_wait3A = tpu.memref_slice %arg2[%mul3A_137] : memref<1036800xf32, #tpu.memory_space<hbm>> -> memref<4104xf32, #tpu.memory_space<hbm>>
        %dma_wait3A_570 = tpu.memref_slice %arg2[%mul3A_137] : memref<1036800xf32, #tpu.memory_space<hbm>> -> memref<4104xf32, #tpu.memory_space<hbm>>
        tpu.wait_dma2 semaphore(%run_scoped3A : memref<!tpu.dma_semaphore, #tpu.memory_space<semaphore_mem>>) src(%dma_wait3A_570 : memref<4104xf32, #tpu.memory_space<hbm>>) dst(%arg4 : memref<4104xf32, #tpu.memory_space<vmem>>)
        tpu.yield
      }) : () -> ()
      %scan3A_145 = arith.constant 0 : i32
      %scan3A_146 = arith.constant 0 : i32
      %mul3A_147 = arith.constant 16 : i32
      %mul3A_148 = arith.muli %mul3A_147, %scan3A_146 : i32
      %add3A_149 = arith.addi %sub3A_138, %mul3A_148 : i32
      %get3A = arith.index_cast %add3A_149 : i32 to index
      %get3A_150 = tpu.vector_load %arg4[%get3A] {strides = array<i32>} : memref<4104xf32, #tpu.memory_space<vmem>>, vector<16xf32>,
      %get3A_151 = vector.shape_cast %get3A_150 : vector<16xf32> to vector<16xf32>
      %mul3A_152 = arith.constant 16 : i32
      %mul3A_153 = arith.muli %mul3A_152, %scan3A_146 : i32
      %add3A_154 = vector.broadcast %mul3A_153 : i32 to vector<16xi32>
      %add3A_155 = arith.addi %add3A_154, %iota3A : vector<16xi32>
      %ge3A = vector.broadcast %max3A_140 : i32 to vector<16xi32>
      %ge3A_156 = arith.cmpi sge, %add3A_155, %ge3A : vector<16xi32>
      %lt3A_157 = vector.broadcast %sub3A_144 : i32 to vector<16xi32>
      %lt3A_158 = arith.cmpi slt, %add3A_155, %lt3A_157 : vector<16xi32>
      %and3A_159 = arith.andi %ge3A_156, %lt3A_158 : vector<16xi1>
      %jit3A_160 = arith.constant 0.000000e+00 : f32
      %broadcast_in_dim3A = vector.broadcast %jit3A_160 : f32 to vector<16xf32>
      %select_n3A_161 = arith.select %and3A_159, %get3A_151, %broadcast_in_dim3A : vector<16xi1>, vector<16xf32>
      %mul3A_162 = arith.constant 16 : i32
      %mul3A_163 = arith.muli %mul3A_162, %scan3A_146 : i32
      %swap3A = arith.index_cast %mul3A_163 : i32 to index
      %swap3A_164 = tpu.vector_load %arg5[%swap3A] {strides = array<i32>} : memref<4096xf32, #tpu.memory_space<vmem>>, vector<16xf32>,
      %swap3A_165 = vector.shape_cast %swap3A_164 : vector<16xf32> to vector<16xf32>
      %swap3A_166 = vector.shape_cast %select_n3A_161 : vector<16xf32> to vector<16xf32>
      tpu.vector_store %arg5[%swap3A], %swap3A_166 {strides = array<i32>} : memref<4096xf32, #tpu.memory_space<vmem>>, vector<16xf32>,
      %scan3A_167 = arith.constant 0 : i32
      %scan3A_168 = arith.constant 1 : i32
      %mul3A_169 = arith.constant 16 : i32
      %mul3A_170 = arith.muli %mul3A_169, %scan3A_168 : i32
      %add3A_171 = arith.addi %sub3A_138, %mul3A_170 : i32
      %get3A_172 = arith.index_cast %add3A_171 : i32 to index
      %get3A_173 = tpu.vector_load %arg4[%get3A_172] {strides = array<i32>} : memref<4104xf32, #tpu.memory_space<vmem>>, vector<16xf32>,
      %get3A_174 = vector.shape_cast %get3A_173 : vector<16xf32> to vector<16xf32>
      %mul3A_175 = arith.constant 16 : i32
      %mul3A_176 = arith.muli %mul3A_175, %scan3A_168 : i32
      %add3A_177 = vector.broadcast %mul3A_176 : i32 to vector<16xi32>
      %add3A_178 = arith.addi %add3A_177, %iota3A : vector<16xi32>
      %ge3A_179 = vector.broadcast %max3A_140 : i32 to vector<16xi32>
      %ge3A_180 = arith.cmpi sge, %add3A_178, %ge3A_179 : vector<16xi32>
      %lt3A_181 = vector.broadcast %sub3A_144 : i32 to vector<16xi32>
      %lt3A_182 = arith.cmpi slt, %add3A_178, %lt3A_181 : vector<16xi32>
      %and3A_183 = arith.andi %ge3A_180, %lt3A_182 : vector<16xi1>
      %jit3A_184 = arith.constant 0.000000e+00 : f32
      %broadcast_in_dim3A_185 = vector.broadcast %jit3A_184 : f32 to vector<16xf32>
      %select_n3A_186 = arith.select %and3A_183, %get3A_174, %broadcast_in_dim3A_185 : vector<16xi1>, vector<16xf32>
      %mul3A_187 = arith.constant 16 : i32
      %mul3A_188 = arith.muli %mul3A_187, %scan3A_168 : i32
      %swap3A_189 = arith.index_cast %mul3A_188 : i32 to index
      %swap3A_190 = tpu.vector_load %arg5[%swap3A_189] {strides = array<i32>} : memref<4096xf32, #tpu.memory_space<vmem>>, vector<16xf32>,
      %swap3A_191 = vector.shape_cast %swap3A_190 : vector<16xf32> to vector<16xf32>
      %swap3A_192 = vector.shape_cast %select_n3A_186 : vector<16xf32> to vector<16xf32>
      tpu.vector_store %arg5[%swap3A_189], %swap3A_192 {strides = array<i32>} : memref<4096xf32, #tpu.memory_space<vmem>>, vector<16xf32>,
      %scan3A_193 = arith.constant 0 : i32
      %scan3A_194 = arith.constant 2 : i32
      %mul3A_195 = arith.constant 16 : i32
      %mul3A_196 = arith.muli %mul3A_195, %scan3A_194 : i32
      %add3A_197 = arith.addi %sub3A_138, %mul3A_196 : i32
      %get3A_198 = arith.index_cast %add3A_197 : i32 to index
      %get3A_199 = tpu.vector_load %arg4[%get3A_198] {strides = array<i32>} : memref<4104xf32, #tpu.memory_space<vmem>>, vector<16xf32>,
      %get3A_200 = vector.shape_cast %get3A_199 : vector<16xf32> to vector<16xf32>
      %mul3A_201 = arith.constant 16 : i32
      %mul3A_202 = arith.muli %mul3A_201, %scan3A_194 : i32
      %add3A_203 = vector.broadcast %mul3A_202 : i32 to vector<16xi32>
      %add3A_204 = arith.addi %add3A_203, %iota3A : vector<16xi32>
      %ge3A_205 = vector.broadcast %max3A_140 : i32 to vector<16xi32>
      %ge3A_206 = arith.cmpi sge, %add3A_204, %ge3A_205 : vector<16xi32>
      %lt3A_207 = vector.broadcast %sub3A_144 : i32 to vector<16xi32>
      %lt3A_208 = arith.cmpi slt, %add3A_204, %lt3A_207 : vector<16xi32>
      %and3A_209 = arith.andi %ge3A_206, %lt3A_208 : vector<16xi1>
      %jit3A_210 = arith.constant 0.000000e+00 : f32
      %broadcast_in_dim3A_211 = vector.broadcast %jit3A_210 : f32 to vector<16xf32>
      %select_n3A_212 = arith.select %and3A_209, %get3A_200, %broadcast_in_dim3A_211 : vector<16xi1>, vector<16xf32>
      %mul3A_213 = arith.constant 16 : i32
      %mul3A_214 = arith.muli %mul3A_213, %scan3A_194 : i32
      %swap3A_215 = arith.index_cast %mul3A_214 : i32 to index
      %swap3A_216 = tpu.vector_load %arg5[%swap3A_215] {strides = array<i32>} : memref<4096xf32, #tpu.memory_space<vmem>>, vector<16xf32>,
      %swap3A_217 = vector.shape_cast %swap3A_216 : vector<16xf32> to vector<16xf32>
      %swap3A_218 = vector.shape_cast %select_n3A_212 : vector<16xf32> to vector<16xf32>
      tpu.vector_store %arg5[%swap3A_215], %swap3A_218 {strides = array<i32>} : memref<4096xf32, #tpu.memory_space<vmem>>, vector<16xf32>,
      %scan3A_219 = arith.constant 0 : i32
      %scan3A_220 = arith.constant 3 : i32
      %mul3A_221 = arith.constant 16 : i32
      %mul3A_222 = arith.muli %mul3A_221, %scan3A_220 : i32
      %add3A_223 = arith.addi %sub3A_138, %mul3A_222 : i32
      %get3A_224 = arith.index_cast %add3A_223 : i32 to index
      %get3A_225 = tpu.vector_load %arg4[%get3A_224] {strides = array<i32>} : memref<4104xf32, #tpu.memory_space<vmem>>, vector<16xf32>,
      %get3A_226 = vector.shape_cast %get3A_225 : vector<16xf32> to vector<16xf32>
      %mul3A_227 = arith.constant 16 : i32
      %mul3A_228 = arith.muli %mul3A_227, %scan3A_220 : i32
      %add3A_229 = vector.broadcast %mul3A_228 : i32 to vector<16xi32>
      %add3A_230 = arith.addi %add3A_229, %iota3A : vector<16xi32>
      %ge3A_231 = vector.broadcast %max3A_140 : i32 to vector<16xi32>
      %ge3A_232 = arith.cmpi sge, %add3A_230, %ge3A_231 : vector<16xi32>
      %lt3A_233 = vector.broadcast %sub3A_144 : i32 to vector<16xi32>
      %lt3A_234 = arith.cmpi slt, %add3A_230, %lt3A_233 : vector<16xi32>
      %and3A_235 = arith.andi %ge3A_232, %lt3A_234 : vector<16xi1>
      %jit3A_236 = arith.constant 0.000000e+00 : f32
      %broadcast_in_dim3A_237 = vector.broadcast %jit3A_236 : f32 to vector<16xf32>
      %select_n3A_238 = arith.select %and3A_235, %get3A_226, %broadcast_in_dim3A_237 : vector<16xi1>, vector<16xf32>
      %mul3A_239 = arith.constant 16 : i32
      %mul3A_240 = arith.muli %mul3A_239, %scan3A_220 : i32
      %swap3A_241 = arith.index_cast %mul3A_240 : i32 to index
      %swap3A_242 = tpu.vector_load %arg5[%swap3A_241] {strides = array<i32>} : memref<4096xf32, #tpu.memory_space<vmem>>, vector<16xf32>,
      %swap3A_243 = vector.shape_cast %swap3A_242 : vector<16xf32> to vector<16xf32>
      %swap3A_244 = vector.shape_cast %select_n3A_238 : vector<16xf32> to vector<16xf32>
      tpu.vector_store %arg5[%swap3A_241], %swap3A_244 {strides = array<i32>} : memref<4096xf32, #tpu.memory_space<vmem>>, vector<16xf32>,
      %scan3A_245 = arith.constant 0 : i32
      %scan3A_246 = arith.constant 4 : i32
      %mul3A_247 = arith.constant 16 : i32
      %mul3A_248 = arith.muli %mul3A_247, %scan3A_246 : i32
      %add3A_249 = arith.addi %sub3A_138, %mul3A_248 : i32
      %get3A_250 = arith.index_cast %add3A_249 : i32 to index
      %get3A_251 = tpu.vector_load %arg4[%get3A_250] {strides = array<i32>} : memref<4104xf32, #tpu.memory_space<vmem>>, vector<16xf32>,
      %get3A_252 = vector.shape_cast %get3A_251 : vector<16xf32> to vector<16xf32>
      %mul3A_253 = arith.constant 16 : i32
      %mul3A_254 = arith.muli %mul3A_253, %scan3A_246 : i32
      %add3A_255 = vector.broadcast %mul3A_254 : i32 to vector<16xi32>
      %add3A_256 = arith.addi %add3A_255, %iota3A : vector<16xi32>
      %ge3A_257 = vector.broadcast %max3A_140 : i32 to vector<16xi32>
      %ge3A_258 = arith.cmpi sge, %add3A_256, %ge3A_257 : vector<16xi32>
      %lt3A_259 = vector.broadcast %sub3A_144 : i32 to vector<16xi32>
      %lt3A_260 = arith.cmpi slt, %add3A_256, %lt3A_259 : vector<16xi32>
      %and3A_261 = arith.andi %ge3A_258, %lt3A_260 : vector<16xi1>
      %jit3A_262 = arith.constant 0.000000e+00 : f32
      %broadcast_in_dim3A_263 = vector.broadcast %jit3A_262 : f32 to vector<16xf32>
      %select_n3A_264 = arith.select %and3A_261, %get3A_252, %broadcast_in_dim3A_263 : vector<16xi1>, vector<16xf32>
      %mul3A_265 = arith.constant 16 : i32
      %mul3A_266 = arith.muli %mul3A_265, %scan3A_246 : i32
      %swap3A_267 = arith.index_cast %mul3A_266 : i32 to index
      %swap3A_268 = tpu.vector_load %arg5[%swap3A_267] {strides = array<i32>} : memref<4096xf32, #tpu.memory_space<vmem>>, vector<16xf32>,
      %swap3A_269 = vector.shape_cast %swap3A_268 : vector<16xf32> to vector<16xf32>
      %swap3A_270 = vector.shape_cast %select_n3A_264 : vector<16xf32> to vector<16xf32>
      tpu.vector_store %arg5[%swap3A_267], %swap3A_270 {strides = array<i32>} : memref<4096xf32, #tpu.memory_space<vmem>>, vector<16xf32>,
      %scan3A_271 = arith.constant 0 : i32
      %scan3A_272 = arith.constant 5 : i32
      %mul3A_273 = arith.constant 16 : i32
      %mul3A_274 = arith.muli %mul3A_273, %scan3A_272 : i32
      %add3A_275 = arith.addi %sub3A_138, %mul3A_274 : i32
      %get3A_276 = arith.index_cast %add3A_275 : i32 to index
      %get3A_277 = tpu.vector_load %arg4[%get3A_276] {strides = array<i32>} : memref<4104xf32, #tpu.memory_space<vmem>>, vector<16xf32>,
      %get3A_278 = vector.shape_cast %get3A_277 : vector<16xf32> to vector<16xf32>
      %mul3A_279 = arith.constant 16 : i32
      %mul3A_280 = arith.muli %mul3A_279, %scan3A_272 : i32
      %add3A_281 = vector.broadcast %mul3A_280 : i32 to vector<16xi32>
      %add3A_282 = arith.addi %add3A_281, %iota3A : vector<16xi32>
      %ge3A_283 = vector.broadcast %max3A_140 : i32 to vector<16xi32>
      %ge3A_284 = arith.cmpi sge, %add3A_282, %ge3A_283 : vector<16xi32>
      %lt3A_285 = vector.broadcast %sub3A_144 : i32 to vector<16xi32>
      %lt3A_286 = arith.cmpi slt, %add3A_282, %lt3A_285 : vector<16xi32>
      %and3A_287 = arith.andi %ge3A_284, %lt3A_286 : vector<16xi1>
      %jit3A_288 = arith.constant 0.000000e+00 : f32
      %broadcast_in_dim3A_289 = vector.broadcast %jit3A_288 : f32 to vector<16xf32>
      %select_n3A_290 = arith.select %and3A_287, %get3A_278, %broadcast_in_dim3A_289 : vector<16xi1>, vector<16xf32>
      %mul3A_291 = arith.constant 16 : i32
      %mul3A_292 = arith.muli %mul3A_291, %scan3A_272 : i32
      %swap3A_293 = arith.index_cast %mul3A_292 : i32 to index
      %swap3A_294 = tpu.vector_load %arg5[%swap3A_293] {strides = array<i32>} : memref<4096xf32, #tpu.memory_space<vmem>>, vector<16xf32>,
      %swap3A_295 = vector.shape_cast %swap3A_294 : vector<16xf32> to vector<16xf32>
      %swap3A_296 = vector.shape_cast %select_n3A_290 : vector<16xf32> to vector<16xf32>
      tpu.vector_store %arg5[%swap3A_293], %swap3A_296 {strides = array<i32>} : memref<4096xf32, #tpu.memory_space<vmem>>, vector<16xf32>,
      %scan3A_297 = arith.constant 0 : i32
      %scan3A_298 = arith.constant 6 : i32
      %mul3A_299 = arith.constant 16 : i32
      %mul3A_300 = arith.muli %mul3A_299, %scan3A_298 : i32
      %add3A_301 = arith.addi %sub3A_138, %mul3A_300 : i32
      %get3A_302 = arith.index_cast %add3A_301 : i32 to index
      %get3A_303 = tpu.vector_load %arg4[%get3A_302] {strides = array<i32>} : memref<4104xf32, #tpu.memory_space<vmem>>, vector<16xf32>,
      %get3A_304 = vector.shape_cast %get3A_303 : vector<16xf32> to vector<16xf32>
      %mul3A_305 = arith.constant 16 : i32
      %mul3A_306 = arith.muli %mul3A_305, %scan3A_298 : i32
      %add3A_307 = vector.broadcast %mul3A_306 : i32 to vector<16xi32>
      %add3A_308 = arith.addi %add3A_307, %iota3A : vector<16xi32>
      %ge3A_309 = vector.broadcast %max3A_140 : i32 to vector<16xi32>
      %ge3A_310 = arith.cmpi sge, %add3A_308, %ge3A_309 : vector<16xi32>
      %lt3A_311 = vector.broadcast %sub3A_144 : i32 to vector<16xi32>
      %lt3A_312 = arith.cmpi slt, %add3A_308, %lt3A_311 : vector<16xi32>
      %and3A_313 = arith.andi %ge3A_310, %lt3A_312 : vector<16xi1>
      %jit3A_314 = arith.constant 0.000000e+00 : f32
      %broadcast_in_dim3A_315 = vector.broadcast %jit3A_314 : f32 to vector<16xf32>
      %select_n3A_316 = arith.select %and3A_313, %get3A_304, %broadcast_in_dim3A_315 : vector<16xi1>, vector<16xf32>
      %mul3A_317 = arith.constant 16 : i32
      %mul3A_318 = arith.muli %mul3A_317, %scan3A_298 : i32
      %swap3A_319 = arith.index_cast %mul3A_318 : i32 to index
      %swap3A_320 = tpu.vector_load %arg5[%swap3A_319] {strides = array<i32>} : memref<4096xf32, #tpu.memory_space<vmem>>, vector<16xf32>,
      %swap3A_321 = vector.shape_cast %swap3A_320 : vector<16xf32> to vector<16xf32>
      %swap3A_322 = vector.shape_cast %select_n3A_316 : vector<16xf32> to vector<16xf32>
      tpu.vector_store %arg5[%swap3A_319], %swap3A_322 {strides = array<i32>} : memref<4096xf32, #tpu.memory_space<vmem>>, vector<16xf32>,
      %scan3A_323 = arith.constant 0 : i32
      %scan3A_324 = arith.constant 7 : i32
      %mul3A_325 = arith.constant 16 : i32
      %mul3A_326 = arith.muli %mul3A_325, %scan3A_324 : i32
      %add3A_327 = arith.addi %sub3A_138, %mul3A_326 : i32
      %get3A_328 = arith.index_cast %add3A_327 : i32 to index
      %get3A_329 = tpu.vector_load %arg4[%get3A_328] {strides = array<i32>} : memref<4104xf32, #tpu.memory_space<vmem>>, vector<16xf32>,
      %get3A_330 = vector.shape_cast %get3A_329 : vector<16xf32> to vector<16xf32>
      %mul3A_331 = arith.constant 16 : i32
      %mul3A_332 = arith.muli %mul3A_331, %scan3A_324 : i32
      %add3A_333 = vector.broadcast %mul3A_332 : i32 to vector<16xi32>
      %add3A_334 = arith.addi %add3A_333, %iota3A : vector<16xi32>
      %ge3A_335 = vector.broadcast %max3A_140 : i32 to vector<16xi32>
      %ge3A_336 = arith.cmpi sge, %add3A_334, %ge3A_335 : vector<16xi32>
      %lt3A_337 = vector.broadcast %sub3A_144 : i32 to vector<16xi32>
      %lt3A_338 = arith.cmpi slt, %add3A_334, %lt3A_337 : vector<16xi32>
      %and3A_339 = arith.andi %ge3A_336, %lt3A_338 : vector<16xi1>
      %jit3A_340 = arith.constant 0.000000e+00 : f32
      %broadcast_in_dim3A_341 = vector.broadcast %jit3A_340 : f32 to vector<16xf32>
      %select_n3A_342 = arith.select %and3A_339, %get3A_330, %broadcast_in_dim3A_341 : vector<16xi1>, vector<16xf32>
      %mul3A_343 = arith.constant 16 : i32
      %mul3A_344 = arith.muli %mul3A_343, %scan3A_324 : i32
      %swap3A_345 = arith.index_cast %mul3A_344 : i32 to index
      %swap3A_346 = tpu.vector_load %arg5[%swap3A_345] {strides = array<i32>} : memref<4096xf32, #tpu.memory_space<vmem>>, vector<16xf32>,
      %swap3A_347 = vector.shape_cast %swap3A_346 : vector<16xf32> to vector<16xf32>
      %swap3A_348 = vector.shape_cast %select_n3A_342 : vector<16xf32> to vector<16xf32>
      tpu.vector_store %arg5[%swap3A_345], %swap3A_348 {strides = array<i32>} : memref<4096xf32, #tpu.memory_space<vmem>>, vector<16xf32>,
      %scan3A_349 = arith.constant 0 : i32
      %scan3A_350 = arith.constant 8 : i32
      %scan3A_351 = arith.constant 0 : i32
      %scan3A_352 = arith.constant 8 : i32
      %scan3A_353 = arith.constant 240 : i32
      %scan3A_354 = arith.addi %scan3A_352, %scan3A_353 : i32
      %scan3A_355 = arith.constant 16 : i32
      %scan3A_356 = scf.for %scan3A_569 = %scan3A_352 to %scan3A_354 step %scan3A_355 iter_args(%scan3A_570 = %scan3A_351) -> (i32)  : i32 {
        %mul3A_571 = arith.constant 16 : i32
        %mul3A_572 = arith.muli %mul3A_571, %scan3A_569 : i32
        %add3A_573 = arith.addi %sub3A_138, %mul3A_572 : i32
        %get3A_574 = arith.index_cast %add3A_573 : i32 to index
        %get3A_575 = tpu.vector_load %arg4[%get3A_574] {strides = array<i32>} : memref<4104xf32, #tpu.memory_space<vmem>>, vector<16xf32>,
        %get3A_576 = vector.shape_cast %get3A_575 : vector<16xf32> to vector<16xf32>
        %mul3A_577 = arith.constant 16 : i32
        %mul3A_578 = arith.muli %mul3A_577, %scan3A_569 : i32
        %swap3A_579 = arith.index_cast %mul3A_578 : i32 to index
        %swap3A_580 = tpu.vector_load %arg5[%swap3A_579] {strides = array<i32>} : memref<4096xf32, #tpu.memory_space<vmem>>, vector<16xf32>,
        %swap3A_581 = vector.shape_cast %swap3A_580 : vector<16xf32> to vector<16xf32>
        %swap3A_582 = vector.shape_cast %get3A_576 : vector<16xf32> to vector<16xf32>
        tpu.vector_store %arg5[%swap3A_579], %swap3A_582 {strides = array<i32>} : memref<4096xf32, #tpu.memory_space<vmem>>, vector<16xf32>,
        %scan3A_583 = arith.constant 0 : i32
        %scan3A_584 = arith.constant 1 : i32
        %scan3A_585 = arith.addi %scan3A_569, %scan3A_584 : i32
        %mul3A_586 = arith.constant 16 : i32
        %mul3A_587 = arith.muli %mul3A_586, %scan3A_585 : i32
        %add3A_588 = arith.addi %sub3A_138, %mul3A_587 : i32
        %get3A_589 = arith.index_cast %add3A_588 : i32 to index
        %get3A_590 = tpu.vector_load %arg4[%get3A_589] {strides = array<i32>} : memref<4104xf32, #tpu.memory_space<vmem>>, vector<16xf32>,
        %get3A_591 = vector.shape_cast %get3A_590 : vector<16xf32> to vector<16xf32>
        %mul3A_592 = arith.constant 16 : i32
        %mul3A_593 = arith.muli %mul3A_592, %scan3A_585 : i32
        %swap3A_594 = arith.index_cast %mul3A_593 : i32 to index
        %swap3A_595 = tpu.vector_load %arg5[%swap3A_594] {strides = array<i32>} : memref<4096xf32, #tpu.memory_space<vmem>>, vector<16xf32>,
        %swap3A_596 = vector.shape_cast %swap3A_595 : vector<16xf32> to vector<16xf32>
        %swap3A_597 = vector.shape_cast %get3A_591 : vector<16xf32> to vector<16xf32>
        tpu.vector_store %arg5[%swap3A_594], %swap3A_597 {strides = array<i32>} : memref<4096xf32, #tpu.memory_space<vmem>>, vector<16xf32>,
        %scan3A_598 = arith.constant 0 : i32
        %scan3A_599 = arith.constant 2 : i32
        %scan3A_600 = arith.addi %scan3A_569, %scan3A_599 : i32
        %mul3A_601 = arith.constant 16 : i32
        %mul3A_602 = arith.muli %mul3A_601, %scan3A_600 : i32
        %add3A_603 = arith.addi %sub3A_138, %mul3A_602 : i32
        %get3A_604 = arith.index_cast %add3A_603 : i32 to index
        %get3A_605 = tpu.vector_load %arg4[%get3A_604] {strides = array<i32>} : memref<4104xf32, #tpu.memory_space<vmem>>, vector<16xf32>,
        %get3A_606 = vector.shape_cast %get3A_605 : vector<16xf32> to vector<16xf32>
        %mul3A_607 = arith.constant 16 : i32
        %mul3A_608 = arith.muli %mul3A_607, %scan3A_600 : i32
        %swap3A_609 = arith.index_cast %mul3A_608 : i32 to index
        %swap3A_610 = tpu.vector_load %arg5[%swap3A_609] {strides = array<i32>} : memref<4096xf32, #tpu.memory_space<vmem>>, vector<16xf32>,
        %swap3A_611 = vector.shape_cast %swap3A_610 : vector<16xf32> to vector<16xf32>
        %swap3A_612 = vector.shape_cast %get3A_606 : vector<16xf32> to vector<16xf32>
        tpu.vector_store %arg5[%swap3A_609], %swap3A_612 {strides = array<i32>} : memref<4096xf32, #tpu.memory_space<vmem>>, vector<16xf32>,
        %scan3A_613 = arith.constant 0 : i32
        %scan3A_614 = arith.constant 3 : i32
        %scan3A_615 = arith.addi %scan3A_569, %scan3A_614 : i32
        %mul3A_616 = arith.constant 16 : i32
        %mul3A_617 = arith.muli %mul3A_616, %scan3A_615 : i32
        %add3A_618 = arith.addi %sub3A_138, %mul3A_617 : i32
        %get3A_619 = arith.index_cast %add3A_618 : i32 to index
        %get3A_620 = tpu.vector_load %arg4[%get3A_619] {strides = array<i32>} : memref<4104xf32, #tpu.memory_space<vmem>>, vector<16xf32>,
        %get3A_621 = vector.shape_cast %get3A_620 : vector<16xf32> to vector<16xf32>
        %mul3A_622 = arith.constant 16 : i32
        %mul3A_623 = arith.muli %mul3A_622, %scan3A_615 : i32
        %swap3A_624 = arith.index_cast %mul3A_623 : i32 to index
        %swap3A_625 = tpu.vector_load %arg5[%swap3A_624] {strides = array<i32>} : memref<4096xf32, #tpu.memory_space<vmem>>, vector<16xf32>,
        %swap3A_626 = vector.shape_cast %swap3A_625 : vector<16xf32> to vector<16xf32>
        %swap3A_627 = vector.shape_cast %get3A_621 : vector<16xf32> to vector<16xf32>
        tpu.vector_store %arg5[%swap3A_624], %swap3A_627 {strides = array<i32>} : memref<4096xf32, #tpu.memory_space<vmem>>, vector<16xf32>,
        %scan3A_628 = arith.constant 0 : i32
        %scan3A_629 = arith.constant 4 : i32
        %scan3A_630 = arith.addi %scan3A_569, %scan3A_629 : i32
        %mul3A_631 = arith.constant 16 : i32
        %mul3A_632 = arith.muli %mul3A_631, %scan3A_630 : i32
        %add3A_633 = arith.addi %sub3A_138, %mul3A_632 : i32
        %get3A_634 = arith.index_cast %add3A_633 : i32 to index
        %get3A_635 = tpu.vector_load %arg4[%get3A_634] {strides = array<i32>} : memref<4104xf32, #tpu.memory_space<vmem>>, vector<16xf32>,
        %get3A_636 = vector.shape_cast %get3A_635 : vector<16xf32> to vector<16xf32>
        %mul3A_637 = arith.constant 16 : i32
        %mul3A_638 = arith.muli %mul3A_637, %scan3A_630 : i32
        %swap3A_639 = arith.index_cast %mul3A_638 : i32 to index
        %swap3A_640 = tpu.vector_load %arg5[%swap3A_639] {strides = array<i32>} : memref<4096xf32, #tpu.memory_space<vmem>>, vector<16xf32>,
        %swap3A_641 = vector.shape_cast %swap3A_640 : vector<16xf32> to vector<16xf32>
        %swap3A_642 = vector.shape_cast %get3A_636 : vector<16xf32> to vector<16xf32>
        tpu.vector_store %arg5[%swap3A_639], %swap3A_642 {strides = array<i32>} : memref<4096xf32, #tpu.memory_space<vmem>>, vector<16xf32>,
        %scan3A_643 = arith.constant 0 : i32
        %scan3A_644 = arith.constant 5 : i32
        %scan3A_645 = arith.addi %scan3A_569, %scan3A_644 : i32
        %mul3A_646 = arith.constant 16 : i32
        %mul3A_647 = arith.muli %mul3A_646, %scan3A_645 : i32
        %add3A_648 = arith.addi %sub3A_138, %mul3A_647 : i32
        %get3A_649 = arith.index_cast %add3A_648 : i32 to index
        %get3A_650 = tpu.vector_load %arg4[%get3A_649] {strides = array<i32>} : memref<4104xf32, #tpu.memory_space<vmem>>, vector<16xf32>,
        %get3A_651 = vector.shape_cast %get3A_650 : vector<16xf32> to vector<16xf32>
        %mul3A_652 = arith.constant 16 : i32
        %mul3A_653 = arith.muli %mul3A_652, %scan3A_645 : i32
        %swap3A_654 = arith.index_cast %mul3A_653 : i32 to index
        %swap3A_655 = tpu.vector_load %arg5[%swap3A_654] {strides = array<i32>} : memref<4096xf32, #tpu.memory_space<vmem>>, vector<16xf32>,
        %swap3A_656 = vector.shape_cast %swap3A_655 : vector<16xf32> to vector<16xf32>
        %swap3A_657 = vector.shape_cast %get3A_651 : vector<16xf32> to vector<16xf32>
        tpu.vector_store %arg5[%swap3A_654], %swap3A_657 {strides = array<i32>} : memref<4096xf32, #tpu.memory_space<vmem>>, vector<16xf32>,
        %scan3A_658 = arith.constant 0 : i32
        %scan3A_659 = arith.constant 6 : i32
        %scan3A_660 = arith.addi %scan3A_569, %scan3A_659 : i32
        %mul3A_661 = arith.constant 16 : i32
        %mul3A_662 = arith.muli %mul3A_661, %scan3A_660 : i32
        %add3A_663 = arith.addi %sub3A_138, %mul3A_662 : i32
        %get3A_664 = arith.index_cast %add3A_663 : i32 to index
        %get3A_665 = tpu.vector_load %arg4[%get3A_664] {strides = array<i32>} : memref<4104xf32, #tpu.memory_space<vmem>>, vector<16xf32>,
        %get3A_666 = vector.shape_cast %get3A_665 : vector<16xf32> to vector<16xf32>
        %mul3A_667 = arith.constant 16 : i32
        %mul3A_668 = arith.muli %mul3A_667, %scan3A_660 : i32
        %swap3A_669 = arith.index_cast %mul3A_668 : i32 to index
        %swap3A_670 = tpu.vector_load %arg5[%swap3A_669] {strides = array<i32>} : memref<4096xf32, #tpu.memory_space<vmem>>, vector<16xf32>,
        %swap3A_671 = vector.shape_cast %swap3A_670 : vector<16xf32> to vector<16xf32>
        %swap3A_672 = vector.shape_cast %get3A_666 : vector<16xf32> to vector<16xf32>
        tpu.vector_store %arg5[%swap3A_669], %swap3A_672 {strides = array<i32>} : memref<4096xf32, #tpu.memory_space<vmem>>, vector<16xf32>,
        %scan3A_673 = arith.constant 0 : i32
        %scan3A_674 = arith.constant 7 : i32
        %scan3A_675 = arith.addi %scan3A_569, %scan3A_674 : i32
        %mul3A_676 = arith.constant 16 : i32
        %mul3A_677 = arith.muli %mul3A_676, %scan3A_675 : i32
        %add3A_678 = arith.addi %sub3A_138, %mul3A_677 : i32
        %get3A_679 = arith.index_cast %add3A_678 : i32 to index
        %get3A_680 = tpu.vector_load %arg4[%get3A_679] {strides = array<i32>} : memref<4104xf32, #tpu.memory_space<vmem>>, vector<16xf32>,
        %get3A_681 = vector.shape_cast %get3A_680 : vector<16xf32> to vector<16xf32>
        %mul3A_682 = arith.constant 16 : i32
        %mul3A_683 = arith.muli %mul3A_682, %scan3A_675 : i32
        %swap3A_684 = arith.index_cast %mul3A_683 : i32 to index
        %swap3A_685 = tpu.vector_load %arg5[%swap3A_684] {strides = array<i32>} : memref<4096xf32, #tpu.memory_space<vmem>>, vector<16xf32>,
        %swap3A_686 = vector.shape_cast %swap3A_685 : vector<16xf32> to vector<16xf32>
        %swap3A_687 = vector.shape_cast %get3A_681 : vector<16xf32> to vector<16xf32>
        tpu.vector_store %arg5[%swap3A_684], %swap3A_687 {strides = array<i32>} : memref<4096xf32, #tpu.memory_space<vmem>>, vector<16xf32>,
        %scan3A_688 = arith.constant 0 : i32
        %scan3A_689 = arith.constant 8 : i32
        %scan3A_690 = arith.addi %scan3A_569, %scan3A_689 : i32
        %mul3A_691 = arith.constant 16 : i32
        %mul3A_692 = arith.muli %mul3A_691, %scan3A_690 : i32
        %add3A_693 = arith.addi %sub3A_138, %mul3A_692 : i32
        %get3A_694 = arith.index_cast %add3A_693 : i32 to index
        %get3A_695 = tpu.vector_load %arg4[%get3A_694] {strides = array<i32>} : memref<4104xf32, #tpu.memory_space<vmem>>, vector<16xf32>,
        %get3A_696 = vector.shape_cast %get3A_695 : vector<16xf32> to vector<16xf32>
        %mul3A_697 = arith.constant 16 : i32
        %mul3A_698 = arith.muli %mul3A_697, %scan3A_690 : i32
        %swap3A_699 = arith.index_cast %mul3A_698 : i32 to index
        %swap3A_700 = tpu.vector_load %arg5[%swap3A_699] {strides = array<i32>} : memref<4096xf32, #tpu.memory_space<vmem>>, vector<16xf32>,
        %swap3A_701 = vector.shape_cast %swap3A_700 : vector<16xf32> to vector<16xf32>
        %swap3A_702 = vector.shape_cast %get3A_696 : vector<16xf32> to vector<16xf32>
        tpu.vector_store %arg5[%swap3A_699], %swap3A_702 {strides = array<i32>} : memref<4096xf32, #tpu.memory_space<vmem>>, vector<16xf32>,
        %scan3A_703 = arith.constant 0 : i32
        %scan3A_704 = arith.constant 9 : i32
        %scan3A_705 = arith.addi %scan3A_569, %scan3A_704 : i32
        %mul3A_706 = arith.constant 16 : i32
        %mul3A_707 = arith.muli %mul3A_706, %scan3A_705 : i32
        %add3A_708 = arith.addi %sub3A_138, %mul3A_707 : i32
        %get3A_709 = arith.index_cast %add3A_708 : i32 to index
        %get3A_710 = tpu.vector_load %arg4[%get3A_709] {strides = array<i32>} : memref<4104xf32, #tpu.memory_space<vmem>>, vector<16xf32>,
        %get3A_711 = vector.shape_cast %get3A_710 : vector<16xf32> to vector<16xf32>
        %mul3A_712 = arith.constant 16 : i32
        %mul3A_713 = arith.muli %mul3A_712, %scan3A_705 : i32
        %swap3A_714 = arith.index_cast %mul3A_713 : i32 to index
        %swap3A_715 = tpu.vector_load %arg5[%swap3A_714] {strides = array<i32>} : memref<4096xf32, #tpu.memory_space<vmem>>, vector<16xf32>,
        %swap3A_716 = vector.shape_cast %swap3A_715 : vector<16xf32> to vector<16xf32>
        %swap3A_717 = vector.shape_cast %get3A_711 : vector<16xf32> to vector<16xf32>
        tpu.vector_store %arg5[%swap3A_714], %swap3A_717 {strides = array<i32>} : memref<4096xf32, #tpu.memory_space<vmem>>, vector<16xf32>,
        %scan3A_718 = arith.constant 0 : i32
        %scan3A_719 = arith.constant 10 : i32
        %scan3A_720 = arith.addi %scan3A_569, %scan3A_719 : i32
        %mul3A_721 = arith.constant 16 : i32
        %mul3A_722 = arith.muli %mul3A_721, %scan3A_720 : i32
        %add3A_723 = arith.addi %sub3A_138, %mul3A_722 : i32
        %get3A_724 = arith.index_cast %add3A_723 : i32 to index
        %get3A_725 = tpu.vector_load %arg4[%get3A_724] {strides = array<i32>} : memref<4104xf32, #tpu.memory_space<vmem>>, vector<16xf32>,
        %get3A_726 = vector.shape_cast %get3A_725 : vector<16xf32> to vector<16xf32>
        %mul3A_727 = arith.constant 16 : i32
        %mul3A_728 = arith.muli %mul3A_727, %scan3A_720 : i32
        %swap3A_729 = arith.index_cast %mul3A_728 : i32 to index
        %swap3A_730 = tpu.vector_load %arg5[%swap3A_729] {strides = array<i32>} : memref<4096xf32, #tpu.memory_space<vmem>>, vector<16xf32>,
        %swap3A_731 = vector.shape_cast %swap3A_730 : vector<16xf32> to vector<16xf32>
        %swap3A_732 = vector.shape_cast %get3A_726 : vector<16xf32> to vector<16xf32>
        tpu.vector_store %arg5[%swap3A_729], %swap3A_732 {strides = array<i32>} : memref<4096xf32, #tpu.memory_space<vmem>>, vector<16xf32>,
        %scan3A_733 = arith.constant 0 : i32
        %scan3A_734 = arith.constant 11 : i32
        %scan3A_735 = arith.addi %scan3A_569, %scan3A_734 : i32
        %mul3A_736 = arith.constant 16 : i32
        %mul3A_737 = arith.muli %mul3A_736, %scan3A_735 : i32
        %add3A_738 = arith.addi %sub3A_138, %mul3A_737 : i32
        %get3A_739 = arith.index_cast %add3A_738 : i32 to index
        %get3A_740 = tpu.vector_load %arg4[%get3A_739] {strides = array<i32>} : memref<4104xf32, #tpu.memory_space<vmem>>, vector<16xf32>,
        %get3A_741 = vector.shape_cast %get3A_740 : vector<16xf32> to vector<16xf32>
        %mul3A_742 = arith.constant 16 : i32
        %mul3A_743 = arith.muli %mul3A_742, %scan3A_735 : i32
        %swap3A_744 = arith.index_cast %mul3A_743 : i32 to index
        %swap3A_745 = tpu.vector_load %arg5[%swap3A_744] {strides = array<i32>} : memref<4096xf32, #tpu.memory_space<vmem>>, vector<16xf32>,
        %swap3A_746 = vector.shape_cast %swap3A_745 : vector<16xf32> to vector<16xf32>
        %swap3A_747 = vector.shape_cast %get3A_741 : vector<16xf32> to vector<16xf32>
        tpu.vector_store %arg5[%swap3A_744], %swap3A_747 {strides = array<i32>} : memref<4096xf32, #tpu.memory_space<vmem>>, vector<16xf32>,
        %scan3A_748 = arith.constant 0 : i32
        %scan3A_749 = arith.constant 12 : i32
        %scan3A_750 = arith.addi %scan3A_569, %scan3A_749 : i32
        %mul3A_751 = arith.constant 16 : i32
        %mul3A_752 = arith.muli %mul3A_751, %scan3A_750 : i32
        %add3A_753 = arith.addi %sub3A_138, %mul3A_752 : i32
        %get3A_754 = arith.index_cast %add3A_753 : i32 to index
        %get3A_755 = tpu.vector_load %arg4[%get3A_754] {strides = array<i32>} : memref<4104xf32, #tpu.memory_space<vmem>>, vector<16xf32>,
        %get3A_756 = vector.shape_cast %get3A_755 : vector<16xf32> to vector<16xf32>
        %mul3A_757 = arith.constant 16 : i32
        %mul3A_758 = arith.muli %mul3A_757, %scan3A_750 : i32
        %swap3A_759 = arith.index_cast %mul3A_758 : i32 to index
        %swap3A_760 = tpu.vector_load %arg5[%swap3A_759] {strides = array<i32>} : memref<4096xf32, #tpu.memory_space<vmem>>, vector<16xf32>,
        %swap3A_761 = vector.shape_cast %swap3A_760 : vector<16xf32> to vector<16xf32>
        %swap3A_762 = vector.shape_cast %get3A_756 : vector<16xf32> to vector<16xf32>
        tpu.vector_store %arg5[%swap3A_759], %swap3A_762 {strides = array<i32>} : memref<4096xf32, #tpu.memory_space<vmem>>, vector<16xf32>,
        %scan3A_763 = arith.constant 0 : i32
        %scan3A_764 = arith.constant 13 : i32
        %scan3A_765 = arith.addi %scan3A_569, %scan3A_764 : i32
        %mul3A_766 = arith.constant 16 : i32
        %mul3A_767 = arith.muli %mul3A_766, %scan3A_765 : i32
        %add3A_768 = arith.addi %sub3A_138, %mul3A_767 : i32
        %get3A_769 = arith.index_cast %add3A_768 : i32 to index
        %get3A_770 = tpu.vector_load %arg4[%get3A_769] {strides = array<i32>} : memref<4104xf32, #tpu.memory_space<vmem>>, vector<16xf32>,
        %get3A_771 = vector.shape_cast %get3A_770 : vector<16xf32> to vector<16xf32>
        %mul3A_772 = arith.constant 16 : i32
        %mul3A_773 = arith.muli %mul3A_772, %scan3A_765 : i32
        %swap3A_774 = arith.index_cast %mul3A_773 : i32 to index
        %swap3A_775 = tpu.vector_load %arg5[%swap3A_774] {strides = array<i32>} : memref<4096xf32, #tpu.memory_space<vmem>>, vector<16xf32>,
        %swap3A_776 = vector.shape_cast %swap3A_775 : vector<16xf32> to vector<16xf32>
        %swap3A_777 = vector.shape_cast %get3A_771 : vector<16xf32> to vector<16xf32>
        tpu.vector_store %arg5[%swap3A_774], %swap3A_777 {strides = array<i32>} : memref<4096xf32, #tpu.memory_space<vmem>>, vector<16xf32>,
        %scan3A_778 = arith.constant 0 : i32
        %scan3A_779 = arith.constant 14 : i32
        %scan3A_780 = arith.addi %scan3A_569, %scan3A_779 : i32
        %mul3A_781 = arith.constant 16 : i32
        %mul3A_782 = arith.muli %mul3A_781, %scan3A_780 : i32
        %add3A_783 = arith.addi %sub3A_138, %mul3A_782 : i32
        %get3A_784 = arith.index_cast %add3A_783 : i32 to index
        %get3A_785 = tpu.vector_load %arg4[%get3A_784] {strides = array<i32>} : memref<4104xf32, #tpu.memory_space<vmem>>, vector<16xf32>,
        %get3A_786 = vector.shape_cast %get3A_785 : vector<16xf32> to vector<16xf32>
        %mul3A_787 = arith.constant 16 : i32
        %mul3A_788 = arith.muli %mul3A_787, %scan3A_780 : i32
        %swap3A_789 = arith.index_cast %mul3A_788 : i32 to index
        %swap3A_790 = tpu.vector_load %arg5[%swap3A_789] {strides = array<i32>} : memref<4096xf32, #tpu.memory_space<vmem>>, vector<16xf32>,
        %swap3A_791 = vector.shape_cast %swap3A_790 : vector<16xf32> to vector<16xf32>
        %swap3A_792 = vector.shape_cast %get3A_786 : vector<16xf32> to vector<16xf32>
        tpu.vector_store %arg5[%swap3A_789], %swap3A_792 {strides = array<i32>} : memref<4096xf32, #tpu.memory_space<vmem>>, vector<16xf32>,
        %scan3A_793 = arith.constant 0 : i32
        %scan3A_794 = arith.constant 15 : i32
        %scan3A_795 = arith.addi %scan3A_569, %scan3A_794 : i32
        %mul3A_796 = arith.constant 16 : i32
        %mul3A_797 = arith.muli %mul3A_796, %scan3A_795 : i32
        %add3A_798 = arith.addi %sub3A_138, %mul3A_797 : i32
        %get3A_799 = arith.index_cast %add3A_798 : i32 to index
        %get3A_800 = tpu.vector_load %arg4[%get3A_799] {strides = array<i32>} : memref<4104xf32, #tpu.memory_space<vmem>>, vector<16xf32>,
        %get3A_801 = vector.shape_cast %get3A_800 : vector<16xf32> to vector<16xf32>
        %mul3A_802 = arith.constant 16 : i32
        %mul3A_803 = arith.muli %mul3A_802, %scan3A_795 : i32
        %swap3A_804 = arith.index_cast %mul3A_803 : i32 to index
        %swap3A_805 = tpu.vector_load %arg5[%swap3A_804] {strides = array<i32>} : memref<4096xf32, #tpu.memory_space<vmem>>, vector<16xf32>,
        %swap3A_806 = vector.shape_cast %swap3A_805 : vector<16xf32> to vector<16xf32>
        %swap3A_807 = vector.shape_cast %get3A_801 : vector<16xf32> to vector<16xf32>
        tpu.vector_store %arg5[%swap3A_804], %swap3A_807 {strides = array<i32>} : memref<4096xf32, #tpu.memory_space<vmem>>, vector<16xf32>,
        %scan3A_808 = arith.constant 0 : i32
        scf.yield %scan3A_808 : i32
      }
      %scan3A_357 = arith.constant 240 : i32
      %scan3A_358 = arith.constant 0 : i32
      %scan3A_359 = arith.constant 248 : i32
      %mul3A_360 = arith.constant 16 : i32
      %mul3A_361 = arith.muli %mul3A_360, %scan3A_359 : i32
      %add3A_362 = arith.addi %sub3A_138, %mul3A_361 : i32
      %get3A_363 = arith.index_cast %add3A_362 : i32 to index
      %get3A_364 = tpu.vector_load %arg4[%get3A_363] {strides = array<i32>} : memref<4104xf32, #tpu.memory_space<vmem>>, vector<16xf32>,
      %get3A_365 = vector.shape_cast %get3A_364 : vector<16xf32> to vector<16xf32>
      %mul3A_366 = arith.constant 16 : i32
      %mul3A_367 = arith.muli %mul3A_366, %scan3A_359 : i32
      %add3A_368 = vector.broadcast %mul3A_367 : i32 to vector<16xi32>
      %add3A_369 = arith.addi %add3A_368, %iota3A : vector<16xi32>
      %ge3A_370 = vector.broadcast %max3A_140 : i32 to vector<16xi32>
      %ge3A_371 = arith.cmpi sge, %add3A_369, %ge3A_370 : vector<16xi32>
      %lt3A_372 = vector.broadcast %sub3A_144 : i32 to vector<16xi32>
      %lt3A_373 = arith.cmpi slt, %add3A_369, %lt3A_372 : vector<16xi32>
      %and3A_374 = arith.andi %ge3A_371, %lt3A_373 : vector<16xi1>
      %jit3A_375 = arith.constant 0.000000e+00 : f32
      %broadcast_in_dim3A_376 = vector.broadcast %jit3A_375 : f32 to vector<16xf32>
      %select_n3A_377 = arith.select %and3A_374, %get3A_365, %broadcast_in_dim3A_376 : vector<16xi1>, vector<16xf32>
      %mul3A_378 = arith.constant 16 : i32
      %mul3A_379 = arith.muli %mul3A_378, %scan3A_359 : i32
      %swap3A_380 = arith.index_cast %mul3A_379 : i32 to index
      %swap3A_381 = tpu.vector_load %arg5[%swap3A_380] {strides = array<i32>} : memref<4096xf32, #tpu.memory_space<vmem>>, vector<16xf32>,
      %swap3A_382 = vector.shape_cast %swap3A_381 : vector<16xf32> to vector<16xf32>
      %swap3A_383 = vector.shape_cast %select_n3A_377 : vector<16xf32> to vector<16xf32>
      tpu.vector_store %arg5[%swap3A_380], %swap3A_383 {strides = array<i32>} : memref<4096xf32, #tpu.memory_space<vmem>>, vector<16xf32>,
      %scan3A_384 = arith.constant 0 : i32
      %scan3A_385 = arith.constant 249 : i32
      %mul3A_386 = arith.constant 16 : i32
      %mul3A_387 = arith.muli %mul3A_386, %scan3A_385 : i32
      %add3A_388 = arith.addi %sub3A_138, %mul3A_387 : i32
      %get3A_389 = arith.index_cast %add3A_388 : i32 to index
      %get3A_390 = tpu.vector_load %arg4[%get3A_389] {strides = array<i32>} : memref<4104xf32, #tpu.memory_space<vmem>>, vector<16xf32>,
      %get3A_391 = vector.shape_cast %get3A_390 : vector<16xf32> to vector<16xf32>
      %mul3A_392 = arith.constant 16 : i32
      %mul3A_393 = arith.muli %mul3A_392, %scan3A_385 : i32
      %add3A_394 = vector.broadcast %mul3A_393 : i32 to vector<16xi32>
      %add3A_395 = arith.addi %add3A_394, %iota3A : vector<16xi32>
      %ge3A_396 = vector.broadcast %max3A_140 : i32 to vector<16xi32>
      %ge3A_397 = arith.cmpi sge, %add3A_395, %ge3A_396 : vector<16xi32>
      %lt3A_398 = vector.broadcast %sub3A_144 : i32 to vector<16xi32>
      %lt3A_399 = arith.cmpi slt, %add3A_395, %lt3A_398 : vector<16xi32>
      %and3A_400 = arith.andi %ge3A_397, %lt3A_399 : vector<16xi1>
      %jit3A_401 = arith.constant 0.000000e+00 : f32
      %broadcast_in_dim3A_402 = vector.broadcast %jit3A_401 : f32 to vector<16xf32>
      %select_n3A_403 = arith.select %and3A_400, %get3A_391, %broadcast_in_dim3A_402 : vector<16xi1>, vector<16xf32>
      %mul3A_404 = arith.constant 16 : i32
      %mul3A_405 = arith.muli %mul3A_404, %scan3A_385 : i32
      %swap3A_406 = arith.index_cast %mul3A_405 : i32 to index
      %swap3A_407 = tpu.vector_load %arg5[%swap3A_406] {strides = array<i32>} : memref<4096xf32, #tpu.memory_space<vmem>>, vector<16xf32>,
      %swap3A_408 = vector.shape_cast %swap3A_407 : vector<16xf32> to vector<16xf32>
      %swap3A_409 = vector.shape_cast %select_n3A_403 : vector<16xf32> to vector<16xf32>
      tpu.vector_store %arg5[%swap3A_406], %swap3A_409 {strides = array<i32>} : memref<4096xf32, #tpu.memory_space<vmem>>, vector<16xf32>,
      %scan3A_410 = arith.constant 0 : i32
      %scan3A_411 = arith.constant 250 : i32
      %mul3A_412 = arith.constant 16 : i32
      %mul3A_413 = arith.muli %mul3A_412, %scan3A_411 : i32
      %add3A_414 = arith.addi %sub3A_138, %mul3A_413 : i32
      %get3A_415 = arith.index_cast %add3A_414 : i32 to index
      %get3A_416 = tpu.vector_load %arg4[%get3A_415] {strides = array<i32>} : memref<4104xf32, #tpu.memory_space<vmem>>, vector<16xf32>,
      %get3A_417 = vector.shape_cast %get3A_416 : vector<16xf32> to vector<16xf32>
      %mul3A_418 = arith.constant 16 : i32
      %mul3A_419 = arith.muli %mul3A_418, %scan3A_411 : i32
      %add3A_420 = vector.broadcast %mul3A_419 : i32 to vector<16xi32>
      %add3A_421 = arith.addi %add3A_420, %iota3A : vector<16xi32>
      %ge3A_422 = vector.broadcast %max3A_140 : i32 to vector<16xi32>
      %ge3A_423 = arith.cmpi sge, %add3A_421, %ge3A_422 : vector<16xi32>
      %lt3A_424 = vector.broadcast %sub3A_144 : i32 to vector<16xi32>
      %lt3A_425 = arith.cmpi slt, %add3A_421, %lt3A_424 : vector<16xi32>
      %and3A_426 = arith.andi %ge3A_423, %lt3A_425 : vector<16xi1>
      %jit3A_427 = arith.constant 0.000000e+00 : f32
      %broadcast_in_dim3A_428 = vector.broadcast %jit3A_427 : f32 to vector<16xf32>
      %select_n3A_429 = arith.select %and3A_426, %get3A_417, %broadcast_in_dim3A_428 : vector<16xi1>, vector<16xf32>
      %mul3A_430 = arith.constant 16 : i32
      %mul3A_431 = arith.muli %mul3A_430, %scan3A_411 : i32
      %swap3A_432 = arith.index_cast %mul3A_431 : i32 to index
      %swap3A_433 = tpu.vector_load %arg5[%swap3A_432] {strides = array<i32>} : memref<4096xf32, #tpu.memory_space<vmem>>, vector<16xf32>,
      %swap3A_434 = vector.shape_cast %swap3A_433 : vector<16xf32> to vector<16xf32>
      %swap3A_435 = vector.shape_cast %select_n3A_429 : vector<16xf32> to vector<16xf32>
      tpu.vector_store %arg5[%swap3A_432], %swap3A_435 {strides = array<i32>} : memref<4096xf32, #tpu.memory_space<vmem>>, vector<16xf32>,
      %scan3A_436 = arith.constant 0 : i32
      %scan3A_437 = arith.constant 251 : i32
      %mul3A_438 = arith.constant 16 : i32
      %mul3A_439 = arith.muli %mul3A_438, %scan3A_437 : i32
      %add3A_440 = arith.addi %sub3A_138, %mul3A_439 : i32
      %get3A_441 = arith.index_cast %add3A_440 : i32 to index
      %get3A_442 = tpu.vector_load %arg4[%get3A_441] {strides = array<i32>} : memref<4104xf32, #tpu.memory_space<vmem>>, vector<16xf32>,
      %get3A_443 = vector.shape_cast %get3A_442 : vector<16xf32> to vector<16xf32>
      %mul3A_444 = arith.constant 16 : i32
      %mul3A_445 = arith.muli %mul3A_444, %scan3A_437 : i32
      %add3A_446 = vector.broadcast %mul3A_445 : i32 to vector<16xi32>
      %add3A_447 = arith.addi %add3A_446, %iota3A : vector<16xi32>
      %ge3A_448 = vector.broadcast %max3A_140 : i32 to vector<16xi32>
      %ge3A_449 = arith.cmpi sge, %add3A_447, %ge3A_448 : vector<16xi32>
      %lt3A_450 = vector.broadcast %sub3A_144 : i32 to vector<16xi32>
      %lt3A_451 = arith.cmpi slt, %add3A_447, %lt3A_450 : vector<16xi32>
      %and3A_452 = arith.andi %ge3A_449, %lt3A_451 : vector<16xi1>
      %jit3A_453 = arith.constant 0.000000e+00 : f32
      %broadcast_in_dim3A_454 = vector.broadcast %jit3A_453 : f32 to vector<16xf32>
      %select_n3A_455 = arith.select %and3A_452, %get3A_443, %broadcast_in_dim3A_454 : vector<16xi1>, vector<16xf32>
      %mul3A_456 = arith.constant 16 : i32
      %mul3A_457 = arith.muli %mul3A_456, %scan3A_437 : i32
      %swap3A_458 = arith.index_cast %mul3A_457 : i32 to index
      %swap3A_459 = tpu.vector_load %arg5[%swap3A_458] {strides = array<i32>} : memref<4096xf32, #tpu.memory_space<vmem>>, vector<16xf32>,
      %swap3A_460 = vector.shape_cast %swap3A_459 : vector<16xf32> to vector<16xf32>
      %swap3A_461 = vector.shape_cast %select_n3A_455 : vector<16xf32> to vector<16xf32>
      tpu.vector_store %arg5[%swap3A_458], %swap3A_461 {strides = array<i32>} : memref<4096xf32, #tpu.memory_space<vmem>>, vector<16xf32>,
      %scan3A_462 = arith.constant 0 : i32
      %scan3A_463 = arith.constant 252 : i32
      %mul3A_464 = arith.constant 16 : i32
      %mul3A_465 = arith.muli %mul3A_464, %scan3A_463 : i32
      %add3A_466 = arith.addi %sub3A_138, %mul3A_465 : i32
      %get3A_467 = arith.index_cast %add3A_466 : i32 to index
      %get3A_468 = tpu.vector_load %arg4[%get3A_467] {strides = array<i32>} : memref<4104xf32, #tpu.memory_space<vmem>>, vector<16xf32>,
      %get3A_469 = vector.shape_cast %get3A_468 : vector<16xf32> to vector<16xf32>
      %mul3A_470 = arith.constant 16 : i32
      %mul3A_471 = arith.muli %mul3A_470, %scan3A_463 : i32
      %add3A_472 = vector.broadcast %mul3A_471 : i32 to vector<16xi32>
      %add3A_473 = arith.addi %add3A_472, %iota3A : vector<16xi32>
      %ge3A_474 = vector.broadcast %max3A_140 : i32 to vector<16xi32>
      %ge3A_475 = arith.cmpi sge, %add3A_473, %ge3A_474 : vector<16xi32>
      %lt3A_476 = vector.broadcast %sub3A_144 : i32 to vector<16xi32>
      %lt3A_477 = arith.cmpi slt, %add3A_473, %lt3A_476 : vector<16xi32>
      %and3A_478 = arith.andi %ge3A_475, %lt3A_477 : vector<16xi1>
      %jit3A_479 = arith.constant 0.000000e+00 : f32
      %broadcast_in_dim3A_480 = vector.broadcast %jit3A_479 : f32 to vector<16xf32>
      %select_n3A_481 = arith.select %and3A_478, %get3A_469, %broadcast_in_dim3A_480 : vector<16xi1>, vector<16xf32>
      %mul3A_482 = arith.constant 16 : i32
      %mul3A_483 = arith.muli %mul3A_482, %scan3A_463 : i32
      %swap3A_484 = arith.index_cast %mul3A_483 : i32 to index
      %swap3A_485 = tpu.vector_load %arg5[%swap3A_484] {strides = array<i32>} : memref<4096xf32, #tpu.memory_space<vmem>>, vector<16xf32>,
      %swap3A_486 = vector.shape_cast %swap3A_485 : vector<16xf32> to vector<16xf32>
      %swap3A_487 = vector.shape_cast %select_n3A_481 : vector<16xf32> to vector<16xf32>
      tpu.vector_store %arg5[%swap3A_484], %swap3A_487 {strides = array<i32>} : memref<4096xf32, #tpu.memory_space<vmem>>, vector<16xf32>,
      %scan3A_488 = arith.constant 0 : i32
      %scan3A_489 = arith.constant 253 : i32
      %mul3A_490 = arith.constant 16 : i32
      %mul3A_491 = arith.muli %mul3A_490, %scan3A_489 : i32
      %add3A_492 = arith.addi %sub3A_138, %mul3A_491 : i32
      %get3A_493 = arith.index_cast %add3A_492 : i32 to index
      %get3A_494 = tpu.vector_load %arg4[%get3A_493] {strides = array<i32>} : memref<4104xf32, #tpu.memory_space<vmem>>, vector<16xf32>,
      %get3A_495 = vector.shape_cast %get3A_494 : vector<16xf32> to vector<16xf32>
      %mul3A_496 = arith.constant 16 : i32
      %mul3A_497 = arith.muli %mul3A_496, %scan3A_489 : i32
      %add3A_498 = vector.broadcast %mul3A_497 : i32 to vector<16xi32>
      %add3A_499 = arith.addi %add3A_498, %iota3A : vector<16xi32>
      %ge3A_500 = vector.broadcast %max3A_140 : i32 to vector<16xi32>
      %ge3A_501 = arith.cmpi sge, %add3A_499, %ge3A_500 : vector<16xi32>
      %lt3A_502 = vector.broadcast %sub3A_144 : i32 to vector<16xi32>
      %lt3A_503 = arith.cmpi slt, %add3A_499, %lt3A_502 : vector<16xi32>
      %and3A_504 = arith.andi %ge3A_501, %lt3A_503 : vector<16xi1>
      %jit3A_505 = arith.constant 0.000000e+00 : f32
      %broadcast_in_dim3A_506 = vector.broadcast %jit3A_505 : f32 to vector<16xf32>
      %select_n3A_507 = arith.select %and3A_504, %get3A_495, %broadcast_in_dim3A_506 : vector<16xi1>, vector<16xf32>
      %mul3A_508 = arith.constant 16 : i32
      %mul3A_509 = arith.muli %mul3A_508, %scan3A_489 : i32
      %swap3A_510 = arith.index_cast %mul3A_509 : i32 to index
      %swap3A_511 = tpu.vector_load %arg5[%swap3A_510] {strides = array<i32>} : memref<4096xf32, #tpu.memory_space<vmem>>, vector<16xf32>,
      %swap3A_512 = vector.shape_cast %swap3A_511 : vector<16xf32> to vector<16xf32>
      %swap3A_513 = vector.shape_cast %select_n3A_507 : vector<16xf32> to vector<16xf32>
      tpu.vector_store %arg5[%swap3A_510], %swap3A_513 {strides = array<i32>} : memref<4096xf32, #tpu.memory_space<vmem>>, vector<16xf32>,
      %scan3A_514 = arith.constant 0 : i32
      %scan3A_515 = arith.constant 254 : i32
      %mul3A_516 = arith.constant 16 : i32
      %mul3A_517 = arith.muli %mul3A_516, %scan3A_515 : i32
      %add3A_518 = arith.addi %sub3A_138, %mul3A_517 : i32
      %get3A_519 = arith.index_cast %add3A_518 : i32 to index
      %get3A_520 = tpu.vector_load %arg4[%get3A_519] {strides = array<i32>} : memref<4104xf32, #tpu.memory_space<vmem>>, vector<16xf32>,
      %get3A_521 = vector.shape_cast %get3A_520 : vector<16xf32> to vector<16xf32>
      %mul3A_522 = arith.constant 16 : i32
      %mul3A_523 = arith.muli %mul3A_522, %scan3A_515 : i32
      %add3A_524 = vector.broadcast %mul3A_523 : i32 to vector<16xi32>
      %add3A_525 = arith.addi %add3A_524, %iota3A : vector<16xi32>
      %ge3A_526 = vector.broadcast %max3A_140 : i32 to vector<16xi32>
      %ge3A_527 = arith.cmpi sge, %add3A_525, %ge3A_526 : vector<16xi32>
      %lt3A_528 = vector.broadcast %sub3A_144 : i32 to vector<16xi32>
      %lt3A_529 = arith.cmpi slt, %add3A_525, %lt3A_528 : vector<16xi32>
      %and3A_530 = arith.andi %ge3A_527, %lt3A_529 : vector<16xi1>
      %jit3A_531 = arith.constant 0.000000e+00 : f32
      %broadcast_in_dim3A_532 = vector.broadcast %jit3A_531 : f32 to vector<16xf32>
      %select_n3A_533 = arith.select %and3A_530, %get3A_521, %broadcast_in_dim3A_532 : vector<16xi1>, vector<16xf32>
      %mul3A_534 = arith.constant 16 : i32
      %mul3A_535 = arith.muli %mul3A_534, %scan3A_515 : i32
      %swap3A_536 = arith.index_cast %mul3A_535 : i32 to index
      %swap3A_537 = tpu.vector_load %arg5[%swap3A_536] {strides = array<i32>} : memref<4096xf32, #tpu.memory_space<vmem>>, vector<16xf32>,
      %swap3A_538 = vector.shape_cast %swap3A_537 : vector<16xf32> to vector<16xf32>
      %swap3A_539 = vector.shape_cast %select_n3A_533 : vector<16xf32> to vector<16xf32>
      tpu.vector_store %arg5[%swap3A_536], %swap3A_539 {strides = array<i32>} : memref<4096xf32, #tpu.memory_space<vmem>>, vector<16xf32>,
      %scan3A_540 = arith.constant 0 : i32
      %scan3A_541 = arith.constant 255 : i32
      %mul3A_542 = arith.constant 16 : i32
      %mul3A_543 = arith.muli %mul3A_542, %scan3A_541 : i32
      %add3A_544 = arith.addi %sub3A_138, %mul3A_543 : i32
      %get3A_545 = arith.index_cast %add3A_544 : i32 to index
      %get3A_546 = tpu.vector_load %arg4[%get3A_545] {strides = array<i32>} : memref<4104xf32, #tpu.memory_space<vmem>>, vector<16xf32>,
      %get3A_547 = vector.shape_cast %get3A_546 : vector<16xf32> to vector<16xf32>
      %mul3A_548 = arith.constant 16 : i32
      %mul3A_549 = arith.muli %mul3A_548, %scan3A_541 : i32
      %add3A_550 = vector.broadcast %mul3A_549 : i32 to vector<16xi32>
      %add3A_551 = arith.addi %add3A_550, %iota3A : vector<16xi32>
      %ge3A_552 = vector.broadcast %max3A_140 : i32 to vector<16xi32>
      %ge3A_553 = arith.cmpi sge, %add3A_551, %ge3A_552 : vector<16xi32>
      %lt3A_554 = vector.broadcast %sub3A_144 : i32 to vector<16xi32>
      %lt3A_555 = arith.cmpi slt, %add3A_551, %lt3A_554 : vector<16xi32>
      %and3A_556 = arith.andi %ge3A_553, %lt3A_555 : vector<16xi1>
      %jit3A_557 = arith.constant 0.000000e+00 : f32
      %broadcast_in_dim3A_558 = vector.broadcast %jit3A_557 : f32 to vector<16xf32>
      %select_n3A_559 = arith.select %and3A_556, %get3A_547, %broadcast_in_dim3A_558 : vector<16xi1>, vector<16xf32>
      %mul3A_560 = arith.constant 16 : i32
      %mul3A_561 = arith.muli %mul3A_560, %scan3A_541 : i32
      %swap3A_562 = arith.index_cast %mul3A_561 : i32 to index
      %swap3A_563 = tpu.vector_load %arg5[%swap3A_562] {strides = array<i32>} : memref<4096xf32, #tpu.memory_space<vmem>>, vector<16xf32>,
      %swap3A_564 = vector.shape_cast %swap3A_563 : vector<16xf32> to vector<16xf32>
      %swap3A_565 = vector.shape_cast %select_n3A_559 : vector<16xf32> to vector<16xf32>
      tpu.vector_store %arg5[%swap3A_562], %swap3A_565 {strides = array<i32>} : memref<4096xf32, #tpu.memory_space<vmem>>, vector<16xf32>,
      %scan3A_566 = arith.constant 0 : i32
      %scan3A_567 = arith.constant 8 : i32
      "tpu.region"() ({
        %run_scoped3A = tpu.sem_alloc : memref<!tpu.dma_semaphore, #tpu.memory_space<semaphore_mem>>
        %dma_start3A = arith.constant 0 : i32
        %dma_start3A_569 = tpu.memref_slice %arg3[%add3A_41, %dma_start3A] : memref<384x4096xf32, #tpu.memory_space<hbm>> -> memref<1x4096xf32, #tpu.memory_space<hbm>>
        %dma_start3A_570 = tpu.memref_squeeze %dma_start3A_569 : memref<1x4096xf32, #tpu.memory_space<hbm>> -> memref<4096xf32, #tpu.memory_space<hbm>>
        %dma_start3A_571 = arith.constant 0 : i32
        %dma_start3A_572 = tpu.memref_slice %arg3[%add3A_41, %dma_start3A_571] : memref<384x4096xf32, #tpu.memory_space<hbm>> -> memref<1x4096xf32, #tpu.memory_space<hbm>>
        %dma_start3A_573 = tpu.memref_squeeze %dma_start3A_572 : memref<1x4096xf32, #tpu.memory_space<hbm>> -> memref<4096xf32, #tpu.memory_space<hbm>>
        tpu.enqueue_dma source(%arg5 : memref<4096xf32, #tpu.memory_space<vmem>>) target(%dma_start3A_573 : memref<4096xf32, #tpu.memory_space<hbm>>) target_semaphore(%run_scoped3A : memref<!tpu.dma_semaphore, #tpu.memory_space<semaphore_mem>>)
        %dma_wait3A = arith.constant 0 : i32
        %dma_wait3A_574 = tpu.memref_slice %arg3[%add3A_41, %dma_wait3A] : memref<384x4096xf32, #tpu.memory_space<hbm>> -> memref<1x4096xf32, #tpu.memory_space<hbm>>
        %dma_wait3A_575 = tpu.memref_squeeze %dma_wait3A_574 : memref<1x4096xf32, #tpu.memory_space<hbm>> -> memref<4096xf32, #tpu.memory_space<hbm>>
        %dma_wait3A_576 = arith.constant 0 : i32
        %dma_wait3A_577 = tpu.memref_slice %arg3[%add3A_41, %dma_wait3A_576] : memref<384x4096xf32, #tpu.memory_space<hbm>> -> memref<1x4096xf32, #tpu.memory_space<hbm>>
        %dma_wait3A_578 = tpu.memref_squeeze %dma_wait3A_577 : memref<1x4096xf32, #tpu.memory_space<hbm>> -> memref<4096xf32, #tpu.memory_space<hbm>>
        tpu.wait_dma2 semaphore(%run_scoped3A : memref<!tpu.dma_semaphore, #tpu.memory_space<semaphore_mem>>) src(%arg5 : memref<4096xf32, #tpu.memory_space<vmem>>) dst(%dma_wait3A_578 : memref<4096xf32, #tpu.memory_space<hbm>>)
        tpu.yield
      }) : () -> ()
      %while3A_568 = arith.constant 0 : i32
      scf.yield %while3A_568 : i32
    }
    %while3A_12 = arith.constant 1 : i32
    %while3A_13 = scf.for %while3A_37 = %while3A_9 to %while3A_5 step %while3A_12 iter_args(%while3A_38 = %while3A_11) -> (i32)  : i32 {
      %mul3A_39 = arith.constant 32 : i32
      %mul3A_40 = arith.muli %mul3A_39, %while3A_37 : i32
      %add3A_41 = arith.addi %add3A, %mul3A_40 : i32
      %sub3A = arith.constant 128 : i32
      %sub3A_42 = arith.subi %add3A_41, %sub3A : i32
      %add3A_43 = arith.constant 128 : i32
      %add3A_44 = arith.addi %sub3A_42, %add3A_43 : i32
      %mul3A_45 = arith.constant 4096 : i32
      %mul3A_46 = arith.muli %add3A_44, %mul3A_45 : i32
      %sub3A_47 = arith.constant 128 : i32
      %sub3A_48 = arith.subi %sub3A_42, %sub3A_47 : i32
      %sub3A_49 = arith.constant 1 : i32
      %sub3A_50 = arith.subi %sub3A_48, %sub3A_49 : i32
      %add3A_51 = arith.constant 128 : i32
      %add3A_52 = arith.addi %sub3A_42, %add3A_51 : i32
      %mul3A_53 = arith.muli %sub3A_50, %add3A_52 : i32
      %jit3A_54 = arith.constant 2 : i32
      %div3A = arith.divsi %mul3A_53, %jit3A_54 : i32
      %sign3A = arith.constant 0 : i32
      %sign3A_55 = arith.cmpi sgt, %mul3A_53, %sign3A : i32
      %sign3A_56 = arith.extui %sign3A_55 : i1 to i32
      %sign3A_57 = arith.constant 0 : i32
      %sign3A_58 = arith.cmpi slt, %mul3A_53, %sign3A_57 : i32
      %sign3A_59 = arith.extui %sign3A_58 : i1 to i32
      %sign3A_60 = arith.subi %sign3A_56, %sign3A_59 : i32
      %sign3A_61 = arith.constant 0 : i32
      %sign3A_62 = arith.cmpi sgt, %jit3A_54, %sign3A_61 : i32
      %sign3A_63 = arith.extui %sign3A_62 : i1 to i32
      %sign3A_64 = arith.constant 0 : i32
      %sign3A_65 = arith.cmpi slt, %jit3A_54, %sign3A_64 : i32
      %sign3A_66 = arith.extui %sign3A_65 : i1 to i32
      %sign3A_67 = arith.subi %sign3A_63, %sign3A_66 : i32
      %ne3A = arith.cmpi ne, %sign3A_60, %sign3A_67 : i32
      %rem3A = arith.remsi %mul3A_53, %jit3A_54 : i32
      %ne3A_68 = arith.constant 0 : i32
      %ne3A_69 = arith.cmpi ne, %rem3A, %ne3A_68 : i32
      %and3A = arith.andi %ne3A, %ne3A_69 : i1
      %sub3A_70 = arith.constant 1 : i32
      %sub3A_71 = arith.subi %div3A, %sub3A_70 : i32
      %select_n3A_72 = arith.select %and3A, %sub3A_71, %div3A : i32
      %add3A_73 = arith.addi %mul3A_46, %select_n3A_72 : i32
      %mul3A_74 = arith.constant 4096 : i32
      %mul3A_75 = arith.muli %mul3A_74, %sub3A_42 : i32
      %add3A_76 = arith.constant 516032 : i32
      %add3A_77 = arith.addi %add3A_76, %mul3A_75 : i32
      %sub3A_78 = arith.constant 1 : i32
      %sub3A_79 = arith.subi %sub3A_42, %sub3A_78 : i32
      %mul3A_80 = arith.muli %sub3A_42, %sub3A_79 : i32
      %jit3A_81 = arith.constant 2 : i32
      %div3A_82 = arith.divsi %mul3A_80, %jit3A_81 : i32
      %sign3A_83 = arith.constant 0 : i32
      %sign3A_84 = arith.cmpi sgt, %mul3A_80, %sign3A_83 : i32
      %sign3A_85 = arith.extui %sign3A_84 : i1 to i32
      %sign3A_86 = arith.constant 0 : i32
      %sign3A_87 = arith.cmpi slt, %mul3A_80, %sign3A_86 : i32
      %sign3A_88 = arith.extui %sign3A_87 : i1 to i32
      %sign3A_89 = arith.subi %sign3A_85, %sign3A_88 : i32
      %sign3A_90 = arith.constant 0 : i32
      %sign3A_91 = arith.cmpi sgt, %jit3A_81, %sign3A_90 : i32
      %sign3A_92 = arith.extui %sign3A_91 : i1 to i32
      %sign3A_93 = arith.constant 0 : i32
      %sign3A_94 = arith.cmpi slt, %jit3A_81, %sign3A_93 : i32
      %sign3A_95 = arith.extui %sign3A_94 : i1 to i32
      %sign3A_96 = arith.subi %sign3A_92, %sign3A_95 : i32
      %ne3A_97 = arith.cmpi ne, %sign3A_89, %sign3A_96 : i32
      %rem3A_98 = arith.remsi %mul3A_80, %jit3A_81 : i32
      %ne3A_99 = arith.constant 0 : i32
      %ne3A_100 = arith.cmpi ne, %rem3A_98, %ne3A_99 : i32
      %and3A_101 = arith.andi %ne3A_97, %ne3A_100 : i1
      %sub3A_102 = arith.constant 1 : i32
      %sub3A_103 = arith.subi %div3A_82, %sub3A_102 : i32
      %select_n3A_104 = arith.select %and3A_101, %sub3A_103, %div3A_82 : i32
      %sub3A_105 = arith.subi %add3A_77, %select_n3A_104 : i32
      %le3A = arith.constant 0 : i32
      %le3A_106 = arith.cmpi sle, %sub3A_42, %le3A : i32
      %select_n3A_107 = arith.select %le3A_106, %add3A_73, %sub3A_105 : i32
      %min3A = arith.constant 0 : i32
      %min3A_108 = arith.minsi %sub3A_42, %min3A : i32
      %add3A_109 = arith.addi %select_n3A_107, %min3A_108 : i32
      %add3A_110 = arith.constant 128 : i32
      %add3A_111 = arith.addi %add3A_109, %add3A_110 : i32
      %jit3A_112 = arith.constant 8 : i32
      %div3A_113 = arith.divsi %add3A_111, %jit3A_112 : i32
      %sign3A_114 = arith.constant 0 : i32
      %sign3A_115 = arith.cmpi sgt, %add3A_111, %sign3A_114 : i32
      %sign3A_116 = arith.extui %sign3A_115 : i1 to i32
      %sign3A_117 = arith.constant 0 : i32
      %sign3A_118 = arith.cmpi slt, %add3A_111, %sign3A_117 : i32
      %sign3A_119 = arith.extui %sign3A_118 : i1 to i32
      %sign3A_120 = arith.subi %sign3A_116, %sign3A_119 : i32
      %sign3A_121 = arith.constant 0 : i32
      %sign3A_122 = arith.cmpi sgt, %jit3A_112, %sign3A_121 : i32
      %sign3A_123 = arith.extui %sign3A_122 : i1 to i32
      %sign3A_124 = arith.constant 0 : i32
      %sign3A_125 = arith.cmpi slt, %jit3A_112, %sign3A_124 : i32
      %sign3A_126 = arith.extui %sign3A_125 : i1 to i32
      %sign3A_127 = arith.subi %sign3A_123, %sign3A_126 : i32
      %ne3A_128 = arith.cmpi ne, %sign3A_120, %sign3A_127 : i32
      %rem3A_129 = arith.remsi %add3A_111, %jit3A_112 : i32
      %ne3A_130 = arith.constant 0 : i32
      %ne3A_131 = arith.cmpi ne, %rem3A_129, %ne3A_130 : i32
      %and3A_132 = arith.andi %ne3A_128, %ne3A_131 : i1
      %sub3A_133 = arith.constant 1 : i32
      %sub3A_134 = arith.subi %div3A_113, %sub3A_133 : i32
      %select_n3A_135 = arith.select %and3A_132, %sub3A_134, %div3A_113 : i32
      %mul3A_136 = arith.constant 8 : i32
      %mul3A_137 = arith.muli %select_n3A_135, %mul3A_136 : i32
      %sub3A_138 = arith.subi %add3A_111, %mul3A_137 : i32
      %neg3A = arith.constant 0 : i32
      %neg3A_139 = arith.subi %neg3A, %sub3A_42 : i32
      %max3A = arith.constant 0 : i32
      %max3A_140 = arith.maxsi %max3A, %neg3A_139 : i32
      %max3A_141 = arith.constant 0 : i32
      %max3A_142 = arith.maxsi %max3A_141, %sub3A_42 : i32
      %sub3A_143 = arith.constant 4096 : i32
      %sub3A_144 = arith.subi %sub3A_143, %max3A_142 : i32
      "tpu.region"() ({
        %run_scoped3A = tpu.sem_alloc : memref<!tpu.dma_semaphore, #tpu.memory_space<semaphore_mem>>
        %dma_start3A = tpu.memref_slice %arg2[%mul3A_137] : memref<1036800xf32, #tpu.memory_space<hbm>> -> memref<4104xf32, #tpu.memory_space<hbm>>
        %dma_start3A_569 = tpu.memref_slice %arg2[%mul3A_137] : memref<1036800xf32, #tpu.memory_space<hbm>> -> memref<4104xf32, #tpu.memory_space<hbm>>
        tpu.enqueue_dma source(%dma_start3A_569 : memref<4104xf32, #tpu.memory_space<hbm>>) target(%arg4 : memref<4104xf32, #tpu.memory_space<vmem>>) target_semaphore(%run_scoped3A : memref<!tpu.dma_semaphore, #tpu.memory_space<semaphore_mem>>)
        %dma_wait3A = tpu.memref_slice %arg2[%mul3A_137] : memref<1036800xf32, #tpu.memory_space<hbm>> -> memref<4104xf32, #tpu.memory_space<hbm>>
        %dma_wait3A_570 = tpu.memref_slice %arg2[%mul3A_137] : memref<1036800xf32, #tpu.memory_space<hbm>> -> memref<4104xf32, #tpu.memory_space<hbm>>
        tpu.wait_dma2 semaphore(%run_scoped3A : memref<!tpu.dma_semaphore, #tpu.memory_space<semaphore_mem>>) src(%dma_wait3A_570 : memref<4104xf32, #tpu.memory_space<hbm>>) dst(%arg4 : memref<4104xf32, #tpu.memory_space<vmem>>)
        tpu.yield
      }) : () -> ()
      %scan3A_145 = arith.constant 0 : i32
      %scan3A_146 = arith.constant 0 : i32
      %mul3A_147 = arith.constant 16 : i32
      %mul3A_148 = arith.muli %mul3A_147, %scan3A_146 : i32
      %add3A_149 = arith.addi %sub3A_138, %mul3A_148 : i32
      %get3A = arith.index_cast %add3A_149 : i32 to index
      %get3A_150 = tpu.vector_load %arg4[%get3A] {strides = array<i32>} : memref<4104xf32, #tpu.memory_space<vmem>>, vector<16xf32>,
      %get3A_151 = vector.shape_cast %get3A_150 : vector<16xf32> to vector<16xf32>
      %mul3A_152 = arith.constant 16 : i32
      %mul3A_153 = arith.muli %mul3A_152, %scan3A_146 : i32
      %add3A_154 = vector.broadcast %mul3A_153 : i32 to vector<16xi32>
      %add3A_155 = arith.addi %add3A_154, %iota3A : vector<16xi32>
      %ge3A = vector.broadcast %max3A_140 : i32 to vector<16xi32>
      %ge3A_156 = arith.cmpi sge, %add3A_155, %ge3A : vector<16xi32>
      %lt3A_157 = vector.broadcast %sub3A_144 : i32 to vector<16xi32>
      %lt3A_158 = arith.cmpi slt, %add3A_155, %lt3A_157 : vector<16xi32>
      %and3A_159 = arith.andi %ge3A_156, %lt3A_158 : vector<16xi1>
      %jit3A_160 = arith.constant 0.000000e+00 : f32
      %broadcast_in_dim3A = vector.broadcast %jit3A_160 : f32 to vector<16xf32>
      %select_n3A_161 = arith.select %and3A_159, %get3A_151, %broadcast_in_dim3A : vector<16xi1>, vector<16xf32>
      %mul3A_162 = arith.constant 16 : i32
      %mul3A_163 = arith.muli %mul3A_162, %scan3A_146 : i32
      %swap3A = arith.index_cast %mul3A_163 : i32 to index
      %swap3A_164 = tpu.vector_load %arg5[%swap3A] {strides = array<i32>} : memref<4096xf32, #tpu.memory_space<vmem>>, vector<16xf32>,
      %swap3A_165 = vector.shape_cast %swap3A_164 : vector<16xf32> to vector<16xf32>
      %swap3A_166 = vector.shape_cast %select_n3A_161 : vector<16xf32> to vector<16xf32>
      tpu.vector_store %arg5[%swap3A], %swap3A_166 {strides = array<i32>} : memref<4096xf32, #tpu.memory_space<vmem>>, vector<16xf32>,
      %scan3A_167 = arith.constant 0 : i32
      %scan3A_168 = arith.constant 1 : i32
      %mul3A_169 = arith.constant 16 : i32
      %mul3A_170 = arith.muli %mul3A_169, %scan3A_168 : i32
      %add3A_171 = arith.addi %sub3A_138, %mul3A_170 : i32
      %get3A_172 = arith.index_cast %add3A_171 : i32 to index
      %get3A_173 = tpu.vector_load %arg4[%get3A_172] {strides = array<i32>} : memref<4104xf32, #tpu.memory_space<vmem>>, vector<16xf32>,
      %get3A_174 = vector.shape_cast %get3A_173 : vector<16xf32> to vector<16xf32>
      %mul3A_175 = arith.constant 16 : i32
      %mul3A_176 = arith.muli %mul3A_175, %scan3A_168 : i32
      %add3A_177 = vector.broadcast %mul3A_176 : i32 to vector<16xi32>
      %add3A_178 = arith.addi %add3A_177, %iota3A : vector<16xi32>
      %ge3A_179 = vector.broadcast %max3A_140 : i32 to vector<16xi32>
      %ge3A_180 = arith.cmpi sge, %add3A_178, %ge3A_179 : vector<16xi32>
      %lt3A_181 = vector.broadcast %sub3A_144 : i32 to vector<16xi32>
      %lt3A_182 = arith.cmpi slt, %add3A_178, %lt3A_181 : vector<16xi32>
      %and3A_183 = arith.andi %ge3A_180, %lt3A_182 : vector<16xi1>
      %jit3A_184 = arith.constant 0.000000e+00 : f32
      %broadcast_in_dim3A_185 = vector.broadcast %jit3A_184 : f32 to vector<16xf32>
      %select_n3A_186 = arith.select %and3A_183, %get3A_174, %broadcast_in_dim3A_185 : vector<16xi1>, vector<16xf32>
      %mul3A_187 = arith.constant 16 : i32
      %mul3A_188 = arith.muli %mul3A_187, %scan3A_168 : i32
      %swap3A_189 = arith.index_cast %mul3A_188 : i32 to index
      %swap3A_190 = tpu.vector_load %arg5[%swap3A_189] {strides = array<i32>} : memref<4096xf32, #tpu.memory_space<vmem>>, vector<16xf32>,
      %swap3A_191 = vector.shape_cast %swap3A_190 : vector<16xf32> to vector<16xf32>
      %swap3A_192 = vector.shape_cast %select_n3A_186 : vector<16xf32> to vector<16xf32>
      tpu.vector_store %arg5[%swap3A_189], %swap3A_192 {strides = array<i32>} : memref<4096xf32, #tpu.memory_space<vmem>>, vector<16xf32>,
      %scan3A_193 = arith.constant 0 : i32
      %scan3A_194 = arith.constant 2 : i32
      %mul3A_195 = arith.constant 16 : i32
      %mul3A_196 = arith.muli %mul3A_195, %scan3A_194 : i32
      %add3A_197 = arith.addi %sub3A_138, %mul3A_196 : i32
      %get3A_198 = arith.index_cast %add3A_197 : i32 to index
      %get3A_199 = tpu.vector_load %arg4[%get3A_198] {strides = array<i32>} : memref<4104xf32, #tpu.memory_space<vmem>>, vector<16xf32>,
      %get3A_200 = vector.shape_cast %get3A_199 : vector<16xf32> to vector<16xf32>
      %mul3A_201 = arith.constant 16 : i32
      %mul3A_202 = arith.muli %mul3A_201, %scan3A_194 : i32
      %add3A_203 = vector.broadcast %mul3A_202 : i32 to vector<16xi32>
      %add3A_204 = arith.addi %add3A_203, %iota3A : vector<16xi32>
      %ge3A_205 = vector.broadcast %max3A_140 : i32 to vector<16xi32>
      %ge3A_206 = arith.cmpi sge, %add3A_204, %ge3A_205 : vector<16xi32>
      %lt3A_207 = vector.broadcast %sub3A_144 : i32 to vector<16xi32>
      %lt3A_208 = arith.cmpi slt, %add3A_204, %lt3A_207 : vector<16xi32>
      %and3A_209 = arith.andi %ge3A_206, %lt3A_208 : vector<16xi1>
      %jit3A_210 = arith.constant 0.000000e+00 : f32
      %broadcast_in_dim3A_211 = vector.broadcast %jit3A_210 : f32 to vector<16xf32>
      %select_n3A_212 = arith.select %and3A_209, %get3A_200, %broadcast_in_dim3A_211 : vector<16xi1>, vector<16xf32>
      %mul3A_213 = arith.constant 16 : i32
      %mul3A_214 = arith.muli %mul3A_213, %scan3A_194 : i32
      %swap3A_215 = arith.index_cast %mul3A_214 : i32 to index
      %swap3A_216 = tpu.vector_load %arg5[%swap3A_215] {strides = array<i32>} : memref<4096xf32, #tpu.memory_space<vmem>>, vector<16xf32>,
      %swap3A_217 = vector.shape_cast %swap3A_216 : vector<16xf32> to vector<16xf32>
      %swap3A_218 = vector.shape_cast %select_n3A_212 : vector<16xf32> to vector<16xf32>
      tpu.vector_store %arg5[%swap3A_215], %swap3A_218 {strides = array<i32>} : memref<4096xf32, #tpu.memory_space<vmem>>, vector<16xf32>,
      %scan3A_219 = arith.constant 0 : i32
      %scan3A_220 = arith.constant 3 : i32
      %mul3A_221 = arith.constant 16 : i32
      %mul3A_222 = arith.muli %mul3A_221, %scan3A_220 : i32
      %add3A_223 = arith.addi %sub3A_138, %mul3A_222 : i32
      %get3A_224 = arith.index_cast %add3A_223 : i32 to index
      %get3A_225 = tpu.vector_load %arg4[%get3A_224] {strides = array<i32>} : memref<4104xf32, #tpu.memory_space<vmem>>, vector<16xf32>,
      %get3A_226 = vector.shape_cast %get3A_225 : vector<16xf32> to vector<16xf32>
      %mul3A_227 = arith.constant 16 : i32
      %mul3A_228 = arith.muli %mul3A_227, %scan3A_220 : i32
      %add3A_229 = vector.broadcast %mul3A_228 : i32 to vector<16xi32>
      %add3A_230 = arith.addi %add3A_229, %iota3A : vector<16xi32>
      %ge3A_231 = vector.broadcast %max3A_140 : i32 to vector<16xi32>
      %ge3A_232 = arith.cmpi sge, %add3A_230, %ge3A_231 : vector<16xi32>
      %lt3A_233 = vector.broadcast %sub3A_144 : i32 to vector<16xi32>
      %lt3A_234 = arith.cmpi slt, %add3A_230, %lt3A_233 : vector<16xi32>
      %and3A_235 = arith.andi %ge3A_232, %lt3A_234 : vector<16xi1>
      %jit3A_236 = arith.constant 0.000000e+00 : f32
      %broadcast_in_dim3A_237 = vector.broadcast %jit3A_236 : f32 to vector<16xf32>
      %select_n3A_238 = arith.select %and3A_235, %get3A_226, %broadcast_in_dim3A_237 : vector<16xi1>, vector<16xf32>
      %mul3A_239 = arith.constant 16 : i32
      %mul3A_240 = arith.muli %mul3A_239, %scan3A_220 : i32
      %swap3A_241 = arith.index_cast %mul3A_240 : i32 to index
      %swap3A_242 = tpu.vector_load %arg5[%swap3A_241] {strides = array<i32>} : memref<4096xf32, #tpu.memory_space<vmem>>, vector<16xf32>,
      %swap3A_243 = vector.shape_cast %swap3A_242 : vector<16xf32> to vector<16xf32>
      %swap3A_244 = vector.shape_cast %select_n3A_238 : vector<16xf32> to vector<16xf32>
      tpu.vector_store %arg5[%swap3A_241], %swap3A_244 {strides = array<i32>} : memref<4096xf32, #tpu.memory_space<vmem>>, vector<16xf32>,
      %scan3A_245 = arith.constant 0 : i32
      %scan3A_246 = arith.constant 4 : i32
      %mul3A_247 = arith.constant 16 : i32
      %mul3A_248 = arith.muli %mul3A_247, %scan3A_246 : i32
      %add3A_249 = arith.addi %sub3A_138, %mul3A_248 : i32
      %get3A_250 = arith.index_cast %add3A_249 : i32 to index
      %get3A_251 = tpu.vector_load %arg4[%get3A_250] {strides = array<i32>} : memref<4104xf32, #tpu.memory_space<vmem>>, vector<16xf32>,
      %get3A_252 = vector.shape_cast %get3A_251 : vector<16xf32> to vector<16xf32>
      %mul3A_253 = arith.constant 16 : i32
      %mul3A_254 = arith.muli %mul3A_253, %scan3A_246 : i32
      %add3A_255 = vector.broadcast %mul3A_254 : i32 to vector<16xi32>
      %add3A_256 = arith.addi %add3A_255, %iota3A : vector<16xi32>
      %ge3A_257 = vector.broadcast %max3A_140 : i32 to vector<16xi32>
      %ge3A_258 = arith.cmpi sge, %add3A_256, %ge3A_257 : vector<16xi32>
      %lt3A_259 = vector.broadcast %sub3A_144 : i32 to vector<16xi32>
      %lt3A_260 = arith.cmpi slt, %add3A_256, %lt3A_259 : vector<16xi32>
      %and3A_261 = arith.andi %ge3A_258, %lt3A_260 : vector<16xi1>
      %jit3A_262 = arith.constant 0.000000e+00 : f32
      %broadcast_in_dim3A_263 = vector.broadcast %jit3A_262 : f32 to vector<16xf32>
      %select_n3A_264 = arith.select %and3A_261, %get3A_252, %broadcast_in_dim3A_263 : vector<16xi1>, vector<16xf32>
      %mul3A_265 = arith.constant 16 : i32
      %mul3A_266 = arith.muli %mul3A_265, %scan3A_246 : i32
      %swap3A_267 = arith.index_cast %mul3A_266 : i32 to index
      %swap3A_268 = tpu.vector_load %arg5[%swap3A_267] {strides = array<i32>} : memref<4096xf32, #tpu.memory_space<vmem>>, vector<16xf32>,
      %swap3A_269 = vector.shape_cast %swap3A_268 : vector<16xf32> to vector<16xf32>
      %swap3A_270 = vector.shape_cast %select_n3A_264 : vector<16xf32> to vector<16xf32>
      tpu.vector_store %arg5[%swap3A_267], %swap3A_270 {strides = array<i32>} : memref<4096xf32, #tpu.memory_space<vmem>>, vector<16xf32>,
      %scan3A_271 = arith.constant 0 : i32
      %scan3A_272 = arith.constant 5 : i32
      %mul3A_273 = arith.constant 16 : i32
      %mul3A_274 = arith.muli %mul3A_273, %scan3A_272 : i32
      %add3A_275 = arith.addi %sub3A_138, %mul3A_274 : i32
      %get3A_276 = arith.index_cast %add3A_275 : i32 to index
      %get3A_277 = tpu.vector_load %arg4[%get3A_276] {strides = array<i32>} : memref<4104xf32, #tpu.memory_space<vmem>>, vector<16xf32>,
      %get3A_278 = vector.shape_cast %get3A_277 : vector<16xf32> to vector<16xf32>
      %mul3A_279 = arith.constant 16 : i32
      %mul3A_280 = arith.muli %mul3A_279, %scan3A_272 : i32
      %add3A_281 = vector.broadcast %mul3A_280 : i32 to vector<16xi32>
      %add3A_282 = arith.addi %add3A_281, %iota3A : vector<16xi32>
      %ge3A_283 = vector.broadcast %max3A_140 : i32 to vector<16xi32>
      %ge3A_284 = arith.cmpi sge, %add3A_282, %ge3A_283 : vector<16xi32>
      %lt3A_285 = vector.broadcast %sub3A_144 : i32 to vector<16xi32>
      %lt3A_286 = arith.cmpi slt, %add3A_282, %lt3A_285 : vector<16xi32>
      %and3A_287 = arith.andi %ge3A_284, %lt3A_286 : vector<16xi1>
      %jit3A_288 = arith.constant 0.000000e+00 : f32
      %broadcast_in_dim3A_289 = vector.broadcast %jit3A_288 : f32 to vector<16xf32>
      %select_n3A_290 = arith.select %and3A_287, %get3A_278, %broadcast_in_dim3A_289 : vector<16xi1>, vector<16xf32>
      %mul3A_291 = arith.constant 16 : i32
      %mul3A_292 = arith.muli %mul3A_291, %scan3A_272 : i32
      %swap3A_293 = arith.index_cast %mul3A_292 : i32 to index
      %swap3A_294 = tpu.vector_load %arg5[%swap3A_293] {strides = array<i32>} : memref<4096xf32, #tpu.memory_space<vmem>>, vector<16xf32>,
      %swap3A_295 = vector.shape_cast %swap3A_294 : vector<16xf32> to vector<16xf32>
      %swap3A_296 = vector.shape_cast %select_n3A_290 : vector<16xf32> to vector<16xf32>
      tpu.vector_store %arg5[%swap3A_293], %swap3A_296 {strides = array<i32>} : memref<4096xf32, #tpu.memory_space<vmem>>, vector<16xf32>,
      %scan3A_297 = arith.constant 0 : i32
      %scan3A_298 = arith.constant 6 : i32
      %mul3A_299 = arith.constant 16 : i32
      %mul3A_300 = arith.muli %mul3A_299, %scan3A_298 : i32
      %add3A_301 = arith.addi %sub3A_138, %mul3A_300 : i32
      %get3A_302 = arith.index_cast %add3A_301 : i32 to index
      %get3A_303 = tpu.vector_load %arg4[%get3A_302] {strides = array<i32>} : memref<4104xf32, #tpu.memory_space<vmem>>, vector<16xf32>,
      %get3A_304 = vector.shape_cast %get3A_303 : vector<16xf32> to vector<16xf32>
      %mul3A_305 = arith.constant 16 : i32
      %mul3A_306 = arith.muli %mul3A_305, %scan3A_298 : i32
      %add3A_307 = vector.broadcast %mul3A_306 : i32 to vector<16xi32>
      %add3A_308 = arith.addi %add3A_307, %iota3A : vector<16xi32>
      %ge3A_309 = vector.broadcast %max3A_140 : i32 to vector<16xi32>
      %ge3A_310 = arith.cmpi sge, %add3A_308, %ge3A_309 : vector<16xi32>
      %lt3A_311 = vector.broadcast %sub3A_144 : i32 to vector<16xi32>
      %lt3A_312 = arith.cmpi slt, %add3A_308, %lt3A_311 : vector<16xi32>
      %and3A_313 = arith.andi %ge3A_310, %lt3A_312 : vector<16xi1>
      %jit3A_314 = arith.constant 0.000000e+00 : f32
      %broadcast_in_dim3A_315 = vector.broadcast %jit3A_314 : f32 to vector<16xf32>
      %select_n3A_316 = arith.select %and3A_313, %get3A_304, %broadcast_in_dim3A_315 : vector<16xi1>, vector<16xf32>
      %mul3A_317 = arith.constant 16 : i32
      %mul3A_318 = arith.muli %mul3A_317, %scan3A_298 : i32
      %swap3A_319 = arith.index_cast %mul3A_318 : i32 to index
      %swap3A_320 = tpu.vector_load %arg5[%swap3A_319] {strides = array<i32>} : memref<4096xf32, #tpu.memory_space<vmem>>, vector<16xf32>,
      %swap3A_321 = vector.shape_cast %swap3A_320 : vector<16xf32> to vector<16xf32>
      %swap3A_322 = vector.shape_cast %select_n3A_316 : vector<16xf32> to vector<16xf32>
      tpu.vector_store %arg5[%swap3A_319], %swap3A_322 {strides = array<i32>} : memref<4096xf32, #tpu.memory_space<vmem>>, vector<16xf32>,
      %scan3A_323 = arith.constant 0 : i32
      %scan3A_324 = arith.constant 7 : i32
      %mul3A_325 = arith.constant 16 : i32
      %mul3A_326 = arith.muli %mul3A_325, %scan3A_324 : i32
      %add3A_327 = arith.addi %sub3A_138, %mul3A_326 : i32
      %get3A_328 = arith.index_cast %add3A_327 : i32 to index
      %get3A_329 = tpu.vector_load %arg4[%get3A_328] {strides = array<i32>} : memref<4104xf32, #tpu.memory_space<vmem>>, vector<16xf32>,
      %get3A_330 = vector.shape_cast %get3A_329 : vector<16xf32> to vector<16xf32>
      %mul3A_331 = arith.constant 16 : i32
      %mul3A_332 = arith.muli %mul3A_331, %scan3A_324 : i32
      %add3A_333 = vector.broadcast %mul3A_332 : i32 to vector<16xi32>
      %add3A_334 = arith.addi %add3A_333, %iota3A : vector<16xi32>
      %ge3A_335 = vector.broadcast %max3A_140 : i32 to vector<16xi32>
      %ge3A_336 = arith.cmpi sge, %add3A_334, %ge3A_335 : vector<16xi32>
      %lt3A_337 = vector.broadcast %sub3A_144 : i32 to vector<16xi32>
      %lt3A_338 = arith.cmpi slt, %add3A_334, %lt3A_337 : vector<16xi32>
      %and3A_339 = arith.andi %ge3A_336, %lt3A_338 : vector<16xi1>
      %jit3A_340 = arith.constant 0.000000e+00 : f32
      %broadcast_in_dim3A_341 = vector.broadcast %jit3A_340 : f32 to vector<16xf32>
      %select_n3A_342 = arith.select %and3A_339, %get3A_330, %broadcast_in_dim3A_341 : vector<16xi1>, vector<16xf32>
      %mul3A_343 = arith.constant 16 : i32
      %mul3A_344 = arith.muli %mul3A_343, %scan3A_324 : i32
      %swap3A_345 = arith.index_cast %mul3A_344 : i32 to index
      %swap3A_346 = tpu.vector_load %arg5[%swap3A_345] {strides = array<i32>} : memref<4096xf32, #tpu.memory_space<vmem>>, vector<16xf32>,
      %swap3A_347 = vector.shape_cast %swap3A_346 : vector<16xf32> to vector<16xf32>
      %swap3A_348 = vector.shape_cast %select_n3A_342 : vector<16xf32> to vector<16xf32>
      tpu.vector_store %arg5[%swap3A_345], %swap3A_348 {strides = array<i32>} : memref<4096xf32, #tpu.memory_space<vmem>>, vector<16xf32>,
      %scan3A_349 = arith.constant 0 : i32
      %scan3A_350 = arith.constant 8 : i32
      %scan3A_351 = arith.constant 0 : i32
      %scan3A_352 = arith.constant 8 : i32
      %scan3A_353 = arith.constant 240 : i32
      %scan3A_354 = arith.addi %scan3A_352, %scan3A_353 : i32
      %scan3A_355 = arith.constant 16 : i32
      %scan3A_356 = scf.for %scan3A_569 = %scan3A_352 to %scan3A_354 step %scan3A_355 iter_args(%scan3A_570 = %scan3A_351) -> (i32)  : i32 {
        %mul3A_571 = arith.constant 16 : i32
        %mul3A_572 = arith.muli %mul3A_571, %scan3A_569 : i32
        %add3A_573 = arith.addi %sub3A_138, %mul3A_572 : i32
        %get3A_574 = arith.index_cast %add3A_573 : i32 to index
        %get3A_575 = tpu.vector_load %arg4[%get3A_574] {strides = array<i32>} : memref<4104xf32, #tpu.memory_space<vmem>>, vector<16xf32>,
        %get3A_576 = vector.shape_cast %get3A_575 : vector<16xf32> to vector<16xf32>
        %mul3A_577 = arith.constant 16 : i32
        %mul3A_578 = arith.muli %mul3A_577, %scan3A_569 : i32
        %swap3A_579 = arith.index_cast %mul3A_578 : i32 to index
        %swap3A_580 = tpu.vector_load %arg5[%swap3A_579] {strides = array<i32>} : memref<4096xf32, #tpu.memory_space<vmem>>, vector<16xf32>,
        %swap3A_581 = vector.shape_cast %swap3A_580 : vector<16xf32> to vector<16xf32>
        %swap3A_582 = vector.shape_cast %get3A_576 : vector<16xf32> to vector<16xf32>
        tpu.vector_store %arg5[%swap3A_579], %swap3A_582 {strides = array<i32>} : memref<4096xf32, #tpu.memory_space<vmem>>, vector<16xf32>,
        %scan3A_583 = arith.constant 0 : i32
        %scan3A_584 = arith.constant 1 : i32
        %scan3A_585 = arith.addi %scan3A_569, %scan3A_584 : i32
        %mul3A_586 = arith.constant 16 : i32
        %mul3A_587 = arith.muli %mul3A_586, %scan3A_585 : i32
        %add3A_588 = arith.addi %sub3A_138, %mul3A_587 : i32
        %get3A_589 = arith.index_cast %add3A_588 : i32 to index
        %get3A_590 = tpu.vector_load %arg4[%get3A_589] {strides = array<i32>} : memref<4104xf32, #tpu.memory_space<vmem>>, vector<16xf32>,
        %get3A_591 = vector.shape_cast %get3A_590 : vector<16xf32> to vector<16xf32>
        %mul3A_592 = arith.constant 16 : i32
        %mul3A_593 = arith.muli %mul3A_592, %scan3A_585 : i32
        %swap3A_594 = arith.index_cast %mul3A_593 : i32 to index
        %swap3A_595 = tpu.vector_load %arg5[%swap3A_594] {strides = array<i32>} : memref<4096xf32, #tpu.memory_space<vmem>>, vector<16xf32>,
        %swap3A_596 = vector.shape_cast %swap3A_595 : vector<16xf32> to vector<16xf32>
        %swap3A_597 = vector.shape_cast %get3A_591 : vector<16xf32> to vector<16xf32>
        tpu.vector_store %arg5[%swap3A_594], %swap3A_597 {strides = array<i32>} : memref<4096xf32, #tpu.memory_space<vmem>>, vector<16xf32>,
        %scan3A_598 = arith.constant 0 : i32
        %scan3A_599 = arith.constant 2 : i32
        %scan3A_600 = arith.addi %scan3A_569, %scan3A_599 : i32
        %mul3A_601 = arith.constant 16 : i32
        %mul3A_602 = arith.muli %mul3A_601, %scan3A_600 : i32
        %add3A_603 = arith.addi %sub3A_138, %mul3A_602 : i32
        %get3A_604 = arith.index_cast %add3A_603 : i32 to index
        %get3A_605 = tpu.vector_load %arg4[%get3A_604] {strides = array<i32>} : memref<4104xf32, #tpu.memory_space<vmem>>, vector<16xf32>,
        %get3A_606 = vector.shape_cast %get3A_605 : vector<16xf32> to vector<16xf32>
        %mul3A_607 = arith.constant 16 : i32
        %mul3A_608 = arith.muli %mul3A_607, %scan3A_600 : i32
        %swap3A_609 = arith.index_cast %mul3A_608 : i32 to index
        %swap3A_610 = tpu.vector_load %arg5[%swap3A_609] {strides = array<i32>} : memref<4096xf32, #tpu.memory_space<vmem>>, vector<16xf32>,
        %swap3A_611 = vector.shape_cast %swap3A_610 : vector<16xf32> to vector<16xf32>
        %swap3A_612 = vector.shape_cast %get3A_606 : vector<16xf32> to vector<16xf32>
        tpu.vector_store %arg5[%swap3A_609], %swap3A_612 {strides = array<i32>} : memref<4096xf32, #tpu.memory_space<vmem>>, vector<16xf32>,
        %scan3A_613 = arith.constant 0 : i32
        %scan3A_614 = arith.constant 3 : i32
        %scan3A_615 = arith.addi %scan3A_569, %scan3A_614 : i32
        %mul3A_616 = arith.constant 16 : i32
        %mul3A_617 = arith.muli %mul3A_616, %scan3A_615 : i32
        %add3A_618 = arith.addi %sub3A_138, %mul3A_617 : i32
        %get3A_619 = arith.index_cast %add3A_618 : i32 to index
        %get3A_620 = tpu.vector_load %arg4[%get3A_619] {strides = array<i32>} : memref<4104xf32, #tpu.memory_space<vmem>>, vector<16xf32>,
        %get3A_621 = vector.shape_cast %get3A_620 : vector<16xf32> to vector<16xf32>
        %mul3A_622 = arith.constant 16 : i32
        %mul3A_623 = arith.muli %mul3A_622, %scan3A_615 : i32
        %swap3A_624 = arith.index_cast %mul3A_623 : i32 to index
        %swap3A_625 = tpu.vector_load %arg5[%swap3A_624] {strides = array<i32>} : memref<4096xf32, #tpu.memory_space<vmem>>, vector<16xf32>,
        %swap3A_626 = vector.shape_cast %swap3A_625 : vector<16xf32> to vector<16xf32>
        %swap3A_627 = vector.shape_cast %get3A_621 : vector<16xf32> to vector<16xf32>
        tpu.vector_store %arg5[%swap3A_624], %swap3A_627 {strides = array<i32>} : memref<4096xf32, #tpu.memory_space<vmem>>, vector<16xf32>,
        %scan3A_628 = arith.constant 0 : i32
        %scan3A_629 = arith.constant 4 : i32
        %scan3A_630 = arith.addi %scan3A_569, %scan3A_629 : i32
        %mul3A_631 = arith.constant 16 : i32
        %mul3A_632 = arith.muli %mul3A_631, %scan3A_630 : i32
        %add3A_633 = arith.addi %sub3A_138, %mul3A_632 : i32
        %get3A_634 = arith.index_cast %add3A_633 : i32 to index
        %get3A_635 = tpu.vector_load %arg4[%get3A_634] {strides = array<i32>} : memref<4104xf32, #tpu.memory_space<vmem>>, vector<16xf32>,
        %get3A_636 = vector.shape_cast %get3A_635 : vector<16xf32> to vector<16xf32>
        %mul3A_637 = arith.constant 16 : i32
        %mul3A_638 = arith.muli %mul3A_637, %scan3A_630 : i32
        %swap3A_639 = arith.index_cast %mul3A_638 : i32 to index
        %swap3A_640 = tpu.vector_load %arg5[%swap3A_639] {strides = array<i32>} : memref<4096xf32, #tpu.memory_space<vmem>>, vector<16xf32>,
        %swap3A_641 = vector.shape_cast %swap3A_640 : vector<16xf32> to vector<16xf32>
        %swap3A_642 = vector.shape_cast %get3A_636 : vector<16xf32> to vector<16xf32>
        tpu.vector_store %arg5[%swap3A_639], %swap3A_642 {strides = array<i32>} : memref<4096xf32, #tpu.memory_space<vmem>>, vector<16xf32>,
        %scan3A_643 = arith.constant 0 : i32
        %scan3A_644 = arith.constant 5 : i32
        %scan3A_645 = arith.addi %scan3A_569, %scan3A_644 : i32
        %mul3A_646 = arith.constant 16 : i32
        %mul3A_647 = arith.muli %mul3A_646, %scan3A_645 : i32
        %add3A_648 = arith.addi %sub3A_138, %mul3A_647 : i32
        %get3A_649 = arith.index_cast %add3A_648 : i32 to index
        %get3A_650 = tpu.vector_load %arg4[%get3A_649] {strides = array<i32>} : memref<4104xf32, #tpu.memory_space<vmem>>, vector<16xf32>,
        %get3A_651 = vector.shape_cast %get3A_650 : vector<16xf32> to vector<16xf32>
        %mul3A_652 = arith.constant 16 : i32
        %mul3A_653 = arith.muli %mul3A_652, %scan3A_645 : i32
        %swap3A_654 = arith.index_cast %mul3A_653 : i32 to index
        %swap3A_655 = tpu.vector_load %arg5[%swap3A_654] {strides = array<i32>} : memref<4096xf32, #tpu.memory_space<vmem>>, vector<16xf32>,
        %swap3A_656 = vector.shape_cast %swap3A_655 : vector<16xf32> to vector<16xf32>
        %swap3A_657 = vector.shape_cast %get3A_651 : vector<16xf32> to vector<16xf32>
        tpu.vector_store %arg5[%swap3A_654], %swap3A_657 {strides = array<i32>} : memref<4096xf32, #tpu.memory_space<vmem>>, vector<16xf32>,
        %scan3A_658 = arith.constant 0 : i32
        %scan3A_659 = arith.constant 6 : i32
        %scan3A_660 = arith.addi %scan3A_569, %scan3A_659 : i32
        %mul3A_661 = arith.constant 16 : i32
        %mul3A_662 = arith.muli %mul3A_661, %scan3A_660 : i32
        %add3A_663 = arith.addi %sub3A_138, %mul3A_662 : i32
        %get3A_664 = arith.index_cast %add3A_663 : i32 to index
        %get3A_665 = tpu.vector_load %arg4[%get3A_664] {strides = array<i32>} : memref<4104xf32, #tpu.memory_space<vmem>>, vector<16xf32>,
        %get3A_666 = vector.shape_cast %get3A_665 : vector<16xf32> to vector<16xf32>
        %mul3A_667 = arith.constant 16 : i32
        %mul3A_668 = arith.muli %mul3A_667, %scan3A_660 : i32
        %swap3A_669 = arith.index_cast %mul3A_668 : i32 to index
        %swap3A_670 = tpu.vector_load %arg5[%swap3A_669] {strides = array<i32>} : memref<4096xf32, #tpu.memory_space<vmem>>, vector<16xf32>,
        %swap3A_671 = vector.shape_cast %swap3A_670 : vector<16xf32> to vector<16xf32>
        %swap3A_672 = vector.shape_cast %get3A_666 : vector<16xf32> to vector<16xf32>
        tpu.vector_store %arg5[%swap3A_669], %swap3A_672 {strides = array<i32>} : memref<4096xf32, #tpu.memory_space<vmem>>, vector<16xf32>,
        %scan3A_673 = arith.constant 0 : i32
        %scan3A_674 = arith.constant 7 : i32
        %scan3A_675 = arith.addi %scan3A_569, %scan3A_674 : i32
        %mul3A_676 = arith.constant 16 : i32
        %mul3A_677 = arith.muli %mul3A_676, %scan3A_675 : i32
        %add3A_678 = arith.addi %sub3A_138, %mul3A_677 : i32
        %get3A_679 = arith.index_cast %add3A_678 : i32 to index
        %get3A_680 = tpu.vector_load %arg4[%get3A_679] {strides = array<i32>} : memref<4104xf32, #tpu.memory_space<vmem>>, vector<16xf32>,
        %get3A_681 = vector.shape_cast %get3A_680 : vector<16xf32> to vector<16xf32>
        %mul3A_682 = arith.constant 16 : i32
        %mul3A_683 = arith.muli %mul3A_682, %scan3A_675 : i32
        %swap3A_684 = arith.index_cast %mul3A_683 : i32 to index
        %swap3A_685 = tpu.vector_load %arg5[%swap3A_684] {strides = array<i32>} : memref<4096xf32, #tpu.memory_space<vmem>>, vector<16xf32>,
        %swap3A_686 = vector.shape_cast %swap3A_685 : vector<16xf32> to vector<16xf32>
        %swap3A_687 = vector.shape_cast %get3A_681 : vector<16xf32> to vector<16xf32>
        tpu.vector_store %arg5[%swap3A_684], %swap3A_687 {strides = array<i32>} : memref<4096xf32, #tpu.memory_space<vmem>>, vector<16xf32>,
        %scan3A_688 = arith.constant 0 : i32
        %scan3A_689 = arith.constant 8 : i32
        %scan3A_690 = arith.addi %scan3A_569, %scan3A_689 : i32
        %mul3A_691 = arith.constant 16 : i32
        %mul3A_692 = arith.muli %mul3A_691, %scan3A_690 : i32
        %add3A_693 = arith.addi %sub3A_138, %mul3A_692 : i32
        %get3A_694 = arith.index_cast %add3A_693 : i32 to index
        %get3A_695 = tpu.vector_load %arg4[%get3A_694] {strides = array<i32>} : memref<4104xf32, #tpu.memory_space<vmem>>, vector<16xf32>,
        %get3A_696 = vector.shape_cast %get3A_695 : vector<16xf32> to vector<16xf32>
        %mul3A_697 = arith.constant 16 : i32
        %mul3A_698 = arith.muli %mul3A_697, %scan3A_690 : i32
        %swap3A_699 = arith.index_cast %mul3A_698 : i32 to index
        %swap3A_700 = tpu.vector_load %arg5[%swap3A_699] {strides = array<i32>} : memref<4096xf32, #tpu.memory_space<vmem>>, vector<16xf32>,
        %swap3A_701 = vector.shape_cast %swap3A_700 : vector<16xf32> to vector<16xf32>
        %swap3A_702 = vector.shape_cast %get3A_696 : vector<16xf32> to vector<16xf32>
        tpu.vector_store %arg5[%swap3A_699], %swap3A_702 {strides = array<i32>} : memref<4096xf32, #tpu.memory_space<vmem>>, vector<16xf32>,
        %scan3A_703 = arith.constant 0 : i32
        %scan3A_704 = arith.constant 9 : i32
        %scan3A_705 = arith.addi %scan3A_569, %scan3A_704 : i32
        %mul3A_706 = arith.constant 16 : i32
        %mul3A_707 = arith.muli %mul3A_706, %scan3A_705 : i32
        %add3A_708 = arith.addi %sub3A_138, %mul3A_707 : i32
        %get3A_709 = arith.index_cast %add3A_708 : i32 to index
        %get3A_710 = tpu.vector_load %arg4[%get3A_709] {strides = array<i32>} : memref<4104xf32, #tpu.memory_space<vmem>>, vector<16xf32>,
        %get3A_711 = vector.shape_cast %get3A_710 : vector<16xf32> to vector<16xf32>
        %mul3A_712 = arith.constant 16 : i32
        %mul3A_713 = arith.muli %mul3A_712, %scan3A_705 : i32
        %swap3A_714 = arith.index_cast %mul3A_713 : i32 to index
        %swap3A_715 = tpu.vector_load %arg5[%swap3A_714] {strides = array<i32>} : memref<4096xf32, #tpu.memory_space<vmem>>, vector<16xf32>,
        %swap3A_716 = vector.shape_cast %swap3A_715 : vector<16xf32> to vector<16xf32>
        %swap3A_717 = vector.shape_cast %get3A_711 : vector<16xf32> to vector<16xf32>
        tpu.vector_store %arg5[%swap3A_714], %swap3A_717 {strides = array<i32>} : memref<4096xf32, #tpu.memory_space<vmem>>, vector<16xf32>,
        %scan3A_718 = arith.constant 0 : i32
        %scan3A_719 = arith.constant 10 : i32
        %scan3A_720 = arith.addi %scan3A_569, %scan3A_719 : i32
        %mul3A_721 = arith.constant 16 : i32
        %mul3A_722 = arith.muli %mul3A_721, %scan3A_720 : i32
        %add3A_723 = arith.addi %sub3A_138, %mul3A_722 : i32
        %get3A_724 = arith.index_cast %add3A_723 : i32 to index
        %get3A_725 = tpu.vector_load %arg4[%get3A_724] {strides = array<i32>} : memref<4104xf32, #tpu.memory_space<vmem>>, vector<16xf32>,
        %get3A_726 = vector.shape_cast %get3A_725 : vector<16xf32> to vector<16xf32>
        %mul3A_727 = arith.constant 16 : i32
        %mul3A_728 = arith.muli %mul3A_727, %scan3A_720 : i32
        %swap3A_729 = arith.index_cast %mul3A_728 : i32 to index
        %swap3A_730 = tpu.vector_load %arg5[%swap3A_729] {strides = array<i32>} : memref<4096xf32, #tpu.memory_space<vmem>>, vector<16xf32>,
        %swap3A_731 = vector.shape_cast %swap3A_730 : vector<16xf32> to vector<16xf32>
        %swap3A_732 = vector.shape_cast %get3A_726 : vector<16xf32> to vector<16xf32>
        tpu.vector_store %arg5[%swap3A_729], %swap3A_732 {strides = array<i32>} : memref<4096xf32, #tpu.memory_space<vmem>>, vector<16xf32>,
        %scan3A_733 = arith.constant 0 : i32
        %scan3A_734 = arith.constant 11 : i32
        %scan3A_735 = arith.addi %scan3A_569, %scan3A_734 : i32
        %mul3A_736 = arith.constant 16 : i32
        %mul3A_737 = arith.muli %mul3A_736, %scan3A_735 : i32
        %add3A_738 = arith.addi %sub3A_138, %mul3A_737 : i32
        %get3A_739 = arith.index_cast %add3A_738 : i32 to index
        %get3A_740 = tpu.vector_load %arg4[%get3A_739] {strides = array<i32>} : memref<4104xf32, #tpu.memory_space<vmem>>, vector<16xf32>,
        %get3A_741 = vector.shape_cast %get3A_740 : vector<16xf32> to vector<16xf32>
        %mul3A_742 = arith.constant 16 : i32
        %mul3A_743 = arith.muli %mul3A_742, %scan3A_735 : i32
        %swap3A_744 = arith.index_cast %mul3A_743 : i32 to index
        %swap3A_745 = tpu.vector_load %arg5[%swap3A_744] {strides = array<i32>} : memref<4096xf32, #tpu.memory_space<vmem>>, vector<16xf32>,
        %swap3A_746 = vector.shape_cast %swap3A_745 : vector<16xf32> to vector<16xf32>
        %swap3A_747 = vector.shape_cast %get3A_741 : vector<16xf32> to vector<16xf32>
        tpu.vector_store %arg5[%swap3A_744], %swap3A_747 {strides = array<i32>} : memref<4096xf32, #tpu.memory_space<vmem>>, vector<16xf32>,
        %scan3A_748 = arith.constant 0 : i32
        %scan3A_749 = arith.constant 12 : i32
        %scan3A_750 = arith.addi %scan3A_569, %scan3A_749 : i32
        %mul3A_751 = arith.constant 16 : i32
        %mul3A_752 = arith.muli %mul3A_751, %scan3A_750 : i32
        %add3A_753 = arith.addi %sub3A_138, %mul3A_752 : i32
        %get3A_754 = arith.index_cast %add3A_753 : i32 to index
        %get3A_755 = tpu.vector_load %arg4[%get3A_754] {strides = array<i32>} : memref<4104xf32, #tpu.memory_space<vmem>>, vector<16xf32>,
        %get3A_756 = vector.shape_cast %get3A_755 : vector<16xf32> to vector<16xf32>
        %mul3A_757 = arith.constant 16 : i32
        %mul3A_758 = arith.muli %mul3A_757, %scan3A_750 : i32
        %swap3A_759 = arith.index_cast %mul3A_758 : i32 to index
        %swap3A_760 = tpu.vector_load %arg5[%swap3A_759] {strides = array<i32>} : memref<4096xf32, #tpu.memory_space<vmem>>, vector<16xf32>,
        %swap3A_761 = vector.shape_cast %swap3A_760 : vector<16xf32> to vector<16xf32>
        %swap3A_762 = vector.shape_cast %get3A_756 : vector<16xf32> to vector<16xf32>
        tpu.vector_store %arg5[%swap3A_759], %swap3A_762 {strides = array<i32>} : memref<4096xf32, #tpu.memory_space<vmem>>, vector<16xf32>,
        %scan3A_763 = arith.constant 0 : i32
        %scan3A_764 = arith.constant 13 : i32
        %scan3A_765 = arith.addi %scan3A_569, %scan3A_764 : i32
        %mul3A_766 = arith.constant 16 : i32
        %mul3A_767 = arith.muli %mul3A_766, %scan3A_765 : i32
        %add3A_768 = arith.addi %sub3A_138, %mul3A_767 : i32
        %get3A_769 = arith.index_cast %add3A_768 : i32 to index
        %get3A_770 = tpu.vector_load %arg4[%get3A_769] {strides = array<i32>} : memref<4104xf32, #tpu.memory_space<vmem>>, vector<16xf32>,
        %get3A_771 = vector.shape_cast %get3A_770 : vector<16xf32> to vector<16xf32>
        %mul3A_772 = arith.constant 16 : i32
        %mul3A_773 = arith.muli %mul3A_772, %scan3A_765 : i32
        %swap3A_774 = arith.index_cast %mul3A_773 : i32 to index
        %swap3A_775 = tpu.vector_load %arg5[%swap3A_774] {strides = array<i32>} : memref<4096xf32, #tpu.memory_space<vmem>>, vector<16xf32>,
        %swap3A_776 = vector.shape_cast %swap3A_775 : vector<16xf32> to vector<16xf32>
        %swap3A_777 = vector.shape_cast %get3A_771 : vector<16xf32> to vector<16xf32>
        tpu.vector_store %arg5[%swap3A_774], %swap3A_777 {strides = array<i32>} : memref<4096xf32, #tpu.memory_space<vmem>>, vector<16xf32>,
        %scan3A_778 = arith.constant 0 : i32
        %scan3A_779 = arith.constant 14 : i32
        %scan3A_780 = arith.addi %scan3A_569, %scan3A_779 : i32
        %mul3A_781 = arith.constant 16 : i32
        %mul3A_782 = arith.muli %mul3A_781, %scan3A_780 : i32
        %add3A_783 = arith.addi %sub3A_138, %mul3A_782 : i32
        %get3A_784 = arith.index_cast %add3A_783 : i32 to index
        %get3A_785 = tpu.vector_load %arg4[%get3A_784] {strides = array<i32>} : memref<4104xf32, #tpu.memory_space<vmem>>, vector<16xf32>,
        %get3A_786 = vector.shape_cast %get3A_785 : vector<16xf32> to vector<16xf32>
        %mul3A_787 = arith.constant 16 : i32
        %mul3A_788 = arith.muli %mul3A_787, %scan3A_780 : i32
        %swap3A_789 = arith.index_cast %mul3A_788 : i32 to index
        %swap3A_790 = tpu.vector_load %arg5[%swap3A_789] {strides = array<i32>} : memref<4096xf32, #tpu.memory_space<vmem>>, vector<16xf32>,
        %swap3A_791 = vector.shape_cast %swap3A_790 : vector<16xf32> to vector<16xf32>
        %swap3A_792 = vector.shape_cast %get3A_786 : vector<16xf32> to vector<16xf32>
        tpu.vector_store %arg5[%swap3A_789], %swap3A_792 {strides = array<i32>} : memref<4096xf32, #tpu.memory_space<vmem>>, vector<16xf32>,
        %scan3A_793 = arith.constant 0 : i32
        %scan3A_794 = arith.constant 15 : i32
        %scan3A_795 = arith.addi %scan3A_569, %scan3A_794 : i32
        %mul3A_796 = arith.constant 16 : i32
        %mul3A_797 = arith.muli %mul3A_796, %scan3A_795 : i32
        %add3A_798 = arith.addi %sub3A_138, %mul3A_797 : i32
        %get3A_799 = arith.index_cast %add3A_798 : i32 to index
        %get3A_800 = tpu.vector_load %arg4[%get3A_799] {strides = array<i32>} : memref<4104xf32, #tpu.memory_space<vmem>>, vector<16xf32>,
        %get3A_801 = vector.shape_cast %get3A_800 : vector<16xf32> to vector<16xf32>
        %mul3A_802 = arith.constant 16 : i32
        %mul3A_803 = arith.muli %mul3A_802, %scan3A_795 : i32
        %swap3A_804 = arith.index_cast %mul3A_803 : i32 to index
        %swap3A_805 = tpu.vector_load %arg5[%swap3A_804] {strides = array<i32>} : memref<4096xf32, #tpu.memory_space<vmem>>, vector<16xf32>,
        %swap3A_806 = vector.shape_cast %swap3A_805 : vector<16xf32> to vector<16xf32>
        %swap3A_807 = vector.shape_cast %get3A_801 : vector<16xf32> to vector<16xf32>
        tpu.vector_store %arg5[%swap3A_804], %swap3A_807 {strides = array<i32>} : memref<4096xf32, #tpu.memory_space<vmem>>, vector<16xf32>,
        %scan3A_808 = arith.constant 0 : i32
        scf.yield %scan3A_808 : i32
      }
      %scan3A_357 = arith.constant 240 : i32
      %scan3A_358 = arith.constant 0 : i32
      %scan3A_359 = arith.constant 248 : i32
      %mul3A_360 = arith.constant 16 : i32
      %mul3A_361 = arith.muli %mul3A_360, %scan3A_359 : i32
      %add3A_362 = arith.addi %sub3A_138, %mul3A_361 : i32
      %get3A_363 = arith.index_cast %add3A_362 : i32 to index
      %get3A_364 = tpu.vector_load %arg4[%get3A_363] {strides = array<i32>} : memref<4104xf32, #tpu.memory_space<vmem>>, vector<16xf32>,
      %get3A_365 = vector.shape_cast %get3A_364 : vector<16xf32> to vector<16xf32>
      %mul3A_366 = arith.constant 16 : i32
      %mul3A_367 = arith.muli %mul3A_366, %scan3A_359 : i32
      %add3A_368 = vector.broadcast %mul3A_367 : i32 to vector<16xi32>
      %add3A_369 = arith.addi %add3A_368, %iota3A : vector<16xi32>
      %ge3A_370 = vector.broadcast %max3A_140 : i32 to vector<16xi32>
      %ge3A_371 = arith.cmpi sge, %add3A_369, %ge3A_370 : vector<16xi32>
      %lt3A_372 = vector.broadcast %sub3A_144 : i32 to vector<16xi32>
      %lt3A_373 = arith.cmpi slt, %add3A_369, %lt3A_372 : vector<16xi32>
      %and3A_374 = arith.andi %ge3A_371, %lt3A_373 : vector<16xi1>
      %jit3A_375 = arith.constant 0.000000e+00 : f32
      %broadcast_in_dim3A_376 = vector.broadcast %jit3A_375 : f32 to vector<16xf32>
      %select_n3A_377 = arith.select %and3A_374, %get3A_365, %broadcast_in_dim3A_376 : vector<16xi1>, vector<16xf32>
      %mul3A_378 = arith.constant 16 : i32
      %mul3A_379 = arith.muli %mul3A_378, %scan3A_359 : i32
      %swap3A_380 = arith.index_cast %mul3A_379 : i32 to index
      %swap3A_381 = tpu.vector_load %arg5[%swap3A_380] {strides = array<i32>} : memref<4096xf32, #tpu.memory_space<vmem>>, vector<16xf32>,
      %swap3A_382 = vector.shape_cast %swap3A_381 : vector<16xf32> to vector<16xf32>
      %swap3A_383 = vector.shape_cast %select_n3A_377 : vector<16xf32> to vector<16xf32>
      tpu.vector_store %arg5[%swap3A_380], %swap3A_383 {strides = array<i32>} : memref<4096xf32, #tpu.memory_space<vmem>>, vector<16xf32>,
      %scan3A_384 = arith.constant 0 : i32
      %scan3A_385 = arith.constant 249 : i32
      %mul3A_386 = arith.constant 16 : i32
      %mul3A_387 = arith.muli %mul3A_386, %scan3A_385 : i32
      %add3A_388 = arith.addi %sub3A_138, %mul3A_387 : i32
      %get3A_389 = arith.index_cast %add3A_388 : i32 to index
      %get3A_390 = tpu.vector_load %arg4[%get3A_389] {strides = array<i32>} : memref<4104xf32, #tpu.memory_space<vmem>>, vector<16xf32>,
      %get3A_391 = vector.shape_cast %get3A_390 : vector<16xf32> to vector<16xf32>
      %mul3A_392 = arith.constant 16 : i32
      %mul3A_393 = arith.muli %mul3A_392, %scan3A_385 : i32
      %add3A_394 = vector.broadcast %mul3A_393 : i32 to vector<16xi32>
      %add3A_395 = arith.addi %add3A_394, %iota3A : vector<16xi32>
      %ge3A_396 = vector.broadcast %max3A_140 : i32 to vector<16xi32>
      %ge3A_397 = arith.cmpi sge, %add3A_395, %ge3A_396 : vector<16xi32>
      %lt3A_398 = vector.broadcast %sub3A_144 : i32 to vector<16xi32>
      %lt3A_399 = arith.cmpi slt, %add3A_395, %lt3A_398 : vector<16xi32>
      %and3A_400 = arith.andi %ge3A_397, %lt3A_399 : vector<16xi1>
      %jit3A_401 = arith.constant 0.000000e+00 : f32
      %broadcast_in_dim3A_402 = vector.broadcast %jit3A_401 : f32 to vector<16xf32>
      %select_n3A_403 = arith.select %and3A_400, %get3A_391, %broadcast_in_dim3A_402 : vector<16xi1>, vector<16xf32>
      %mul3A_404 = arith.constant 16 : i32
      %mul3A_405 = arith.muli %mul3A_404, %scan3A_385 : i32
      %swap3A_406 = arith.index_cast %mul3A_405 : i32 to index
      %swap3A_407 = tpu.vector_load %arg5[%swap3A_406] {strides = array<i32>} : memref<4096xf32, #tpu.memory_space<vmem>>, vector<16xf32>,
      %swap3A_408 = vector.shape_cast %swap3A_407 : vector<16xf32> to vector<16xf32>
      %swap3A_409 = vector.shape_cast %select_n3A_403 : vector<16xf32> to vector<16xf32>
      tpu.vector_store %arg5[%swap3A_406], %swap3A_409 {strides = array<i32>} : memref<4096xf32, #tpu.memory_space<vmem>>, vector<16xf32>,
      %scan3A_410 = arith.constant 0 : i32
      %scan3A_411 = arith.constant 250 : i32
      %mul3A_412 = arith.constant 16 : i32
      %mul3A_413 = arith.muli %mul3A_412, %scan3A_411 : i32
      %add3A_414 = arith.addi %sub3A_138, %mul3A_413 : i32
      %get3A_415 = arith.index_cast %add3A_414 : i32 to index
      %get3A_416 = tpu.vector_load %arg4[%get3A_415] {strides = array<i32>} : memref<4104xf32, #tpu.memory_space<vmem>>, vector<16xf32>,
      %get3A_417 = vector.shape_cast %get3A_416 : vector<16xf32> to vector<16xf32>
      %mul3A_418 = arith.constant 16 : i32
      %mul3A_419 = arith.muli %mul3A_418, %scan3A_411 : i32
      %add3A_420 = vector.broadcast %mul3A_419 : i32 to vector<16xi32>
      %add3A_421 = arith.addi %add3A_420, %iota3A : vector<16xi32>
      %ge3A_422 = vector.broadcast %max3A_140 : i32 to vector<16xi32>
      %ge3A_423 = arith.cmpi sge, %add3A_421, %ge3A_422 : vector<16xi32>
      %lt3A_424 = vector.broadcast %sub3A_144 : i32 to vector<16xi32>
      %lt3A_425 = arith.cmpi slt, %add3A_421, %lt3A_424 : vector<16xi32>
      %and3A_426 = arith.andi %ge3A_423, %lt3A_425 : vector<16xi1>
      %jit3A_427 = arith.constant 0.000000e+00 : f32
      %broadcast_in_dim3A_428 = vector.broadcast %jit3A_427 : f32 to vector<16xf32>
      %select_n3A_429 = arith.select %and3A_426, %get3A_417, %broadcast_in_dim3A_428 : vector<16xi1>, vector<16xf32>
      %mul3A_430 = arith.constant 16 : i32
      %mul3A_431 = arith.muli %mul3A_430, %scan3A_411 : i32
      %swap3A_432 = arith.index_cast %mul3A_431 : i32 to index
      %swap3A_433 = tpu.vector_load %arg5[%swap3A_432] {strides = array<i32>} : memref<4096xf32, #tpu.memory_space<vmem>>, vector<16xf32>,
      %swap3A_434 = vector.shape_cast %swap3A_433 : vector<16xf32> to vector<16xf32>
      %swap3A_435 = vector.shape_cast %select_n3A_429 : vector<16xf32> to vector<16xf32>
      tpu.vector_store %arg5[%swap3A_432], %swap3A_435 {strides = array<i32>} : memref<4096xf32, #tpu.memory_space<vmem>>, vector<16xf32>,
      %scan3A_436 = arith.constant 0 : i32
      %scan3A_437 = arith.constant 251 : i32
      %mul3A_438 = arith.constant 16 : i32
      %mul3A_439 = arith.muli %mul3A_438, %scan3A_437 : i32
      %add3A_440 = arith.addi %sub3A_138, %mul3A_439 : i32
      %get3A_441 = arith.index_cast %add3A_440 : i32 to index
      %get3A_442 = tpu.vector_load %arg4[%get3A_441] {strides = array<i32>} : memref<4104xf32, #tpu.memory_space<vmem>>, vector<16xf32>,
      %get3A_443 = vector.shape_cast %get3A_442 : vector<16xf32> to vector<16xf32>
      %mul3A_444 = arith.constant 16 : i32
      %mul3A_445 = arith.muli %mul3A_444, %scan3A_437 : i32
      %add3A_446 = vector.broadcast %mul3A_445 : i32 to vector<16xi32>
      %add3A_447 = arith.addi %add3A_446, %iota3A : vector<16xi32>
      %ge3A_448 = vector.broadcast %max3A_140 : i32 to vector<16xi32>
      %ge3A_449 = arith.cmpi sge, %add3A_447, %ge3A_448 : vector<16xi32>
      %lt3A_450 = vector.broadcast %sub3A_144 : i32 to vector<16xi32>
      %lt3A_451 = arith.cmpi slt, %add3A_447, %lt3A_450 : vector<16xi32>
      %and3A_452 = arith.andi %ge3A_449, %lt3A_451 : vector<16xi1>
      %jit3A_453 = arith.constant 0.000000e+00 : f32
      %broadcast_in_dim3A_454 = vector.broadcast %jit3A_453 : f32 to vector<16xf32>
      %select_n3A_455 = arith.select %and3A_452, %get3A_443, %broadcast_in_dim3A_454 : vector<16xi1>, vector<16xf32>
      %mul3A_456 = arith.constant 16 : i32
      %mul3A_457 = arith.muli %mul3A_456, %scan3A_437 : i32
      %swap3A_458 = arith.index_cast %mul3A_457 : i32 to index
      %swap3A_459 = tpu.vector_load %arg5[%swap3A_458] {strides = array<i32>} : memref<4096xf32, #tpu.memory_space<vmem>>, vector<16xf32>,
      %swap3A_460 = vector.shape_cast %swap3A_459 : vector<16xf32> to vector<16xf32>
      %swap3A_461 = vector.shape_cast %select_n3A_455 : vector<16xf32> to vector<16xf32>
      tpu.vector_store %arg5[%swap3A_458], %swap3A_461 {strides = array<i32>} : memref<4096xf32, #tpu.memory_space<vmem>>, vector<16xf32>,
      %scan3A_462 = arith.constant 0 : i32
      %scan3A_463 = arith.constant 252 : i32
      %mul3A_464 = arith.constant 16 : i32
      %mul3A_465 = arith.muli %mul3A_464, %scan3A_463 : i32
      %add3A_466 = arith.addi %sub3A_138, %mul3A_465 : i32
      %get3A_467 = arith.index_cast %add3A_466 : i32 to index
      %get3A_468 = tpu.vector_load %arg4[%get3A_467] {strides = array<i32>} : memref<4104xf32, #tpu.memory_space<vmem>>, vector<16xf32>,
      %get3A_469 = vector.shape_cast %get3A_468 : vector<16xf32> to vector<16xf32>
      %mul3A_470 = arith.constant 16 : i32
      %mul3A_471 = arith.muli %mul3A_470, %scan3A_463 : i32
      %add3A_472 = vector.broadcast %mul3A_471 : i32 to vector<16xi32>
      %add3A_473 = arith.addi %add3A_472, %iota3A : vector<16xi32>
      %ge3A_474 = vector.broadcast %max3A_140 : i32 to vector<16xi32>
      %ge3A_475 = arith.cmpi sge, %add3A_473, %ge3A_474 : vector<16xi32>
      %lt3A_476 = vector.broadcast %sub3A_144 : i32 to vector<16xi32>
      %lt3A_477 = arith.cmpi slt, %add3A_473, %lt3A_476 : vector<16xi32>
      %and3A_478 = arith.andi %ge3A_475, %lt3A_477 : vector<16xi1>
      %jit3A_479 = arith.constant 0.000000e+00 : f32
      %broadcast_in_dim3A_480 = vector.broadcast %jit3A_479 : f32 to vector<16xf32>
      %select_n3A_481 = arith.select %and3A_478, %get3A_469, %broadcast_in_dim3A_480 : vector<16xi1>, vector<16xf32>
      %mul3A_482 = arith.constant 16 : i32
      %mul3A_483 = arith.muli %mul3A_482, %scan3A_463 : i32
      %swap3A_484 = arith.index_cast %mul3A_483 : i32 to index
      %swap3A_485 = tpu.vector_load %arg5[%swap3A_484] {strides = array<i32>} : memref<4096xf32, #tpu.memory_space<vmem>>, vector<16xf32>,
      %swap3A_486 = vector.shape_cast %swap3A_485 : vector<16xf32> to vector<16xf32>
      %swap3A_487 = vector.shape_cast %select_n3A_481 : vector<16xf32> to vector<16xf32>
      tpu.vector_store %arg5[%swap3A_484], %swap3A_487 {strides = array<i32>} : memref<4096xf32, #tpu.memory_space<vmem>>, vector<16xf32>,
      %scan3A_488 = arith.constant 0 : i32
      %scan3A_489 = arith.constant 253 : i32
      %mul3A_490 = arith.constant 16 : i32
      %mul3A_491 = arith.muli %mul3A_490, %scan3A_489 : i32
      %add3A_492 = arith.addi %sub3A_138, %mul3A_491 : i32
      %get3A_493 = arith.index_cast %add3A_492 : i32 to index
      %get3A_494 = tpu.vector_load %arg4[%get3A_493] {strides = array<i32>} : memref<4104xf32, #tpu.memory_space<vmem>>, vector<16xf32>,
      %get3A_495 = vector.shape_cast %get3A_494 : vector<16xf32> to vector<16xf32>
      %mul3A_496 = arith.constant 16 : i32
      %mul3A_497 = arith.muli %mul3A_496, %scan3A_489 : i32
      %add3A_498 = vector.broadcast %mul3A_497 : i32 to vector<16xi32>
      %add3A_499 = arith.addi %add3A_498, %iota3A : vector<16xi32>
      %ge3A_500 = vector.broadcast %max3A_140 : i32 to vector<16xi32>
      %ge3A_501 = arith.cmpi sge, %add3A_499, %ge3A_500 : vector<16xi32>
      %lt3A_502 = vector.broadcast %sub3A_144 : i32 to vector<16xi32>
      %lt3A_503 = arith.cmpi slt, %add3A_499, %lt3A_502 : vector<16xi32>
      %and3A_504 = arith.andi %ge3A_501, %lt3A_503 : vector<16xi1>
      %jit3A_505 = arith.constant 0.000000e+00 : f32
      %broadcast_in_dim3A_506 = vector.broadcast %jit3A_505 : f32 to vector<16xf32>
      %select_n3A_507 = arith.select %and3A_504, %get3A_495, %broadcast_in_dim3A_506 : vector<16xi1>, vector<16xf32>
      %mul3A_508 = arith.constant 16 : i32
      %mul3A_509 = arith.muli %mul3A_508, %scan3A_489 : i32
      %swap3A_510 = arith.index_cast %mul3A_509 : i32 to index
      %swap3A_511 = tpu.vector_load %arg5[%swap3A_510] {strides = array<i32>} : memref<4096xf32, #tpu.memory_space<vmem>>, vector<16xf32>,
      %swap3A_512 = vector.shape_cast %swap3A_511 : vector<16xf32> to vector<16xf32>
      %swap3A_513 = vector.shape_cast %select_n3A_507 : vector<16xf32> to vector<16xf32>
      tpu.vector_store %arg5[%swap3A_510], %swap3A_513 {strides = array<i32>} : memref<4096xf32, #tpu.memory_space<vmem>>, vector<16xf32>,
      %scan3A_514 = arith.constant 0 : i32
      %scan3A_515 = arith.constant 254 : i32
      %mul3A_516 = arith.constant 16 : i32
      %mul3A_517 = arith.muli %mul3A_516, %scan3A_515 : i32
      %add3A_518 = arith.addi %sub3A_138, %mul3A_517 : i32
      %get3A_519 = arith.index_cast %add3A_518 : i32 to index
      %get3A_520 = tpu.vector_load %arg4[%get3A_519] {strides = array<i32>} : memref<4104xf32, #tpu.memory_space<vmem>>, vector<16xf32>,
      %get3A_521 = vector.shape_cast %get3A_520 : vector<16xf32> to vector<16xf32>
      %mul3A_522 = arith.constant 16 : i32
      %mul3A_523 = arith.muli %mul3A_522, %scan3A_515 : i32
      %add3A_524 = vector.broadcast %mul3A_523 : i32 to vector<16xi32>
      %add3A_525 = arith.addi %add3A_524, %iota3A : vector<16xi32>
      %ge3A_526 = vector.broadcast %max3A_140 : i32 to vector<16xi32>
      %ge3A_527 = arith.cmpi sge, %add3A_525, %ge3A_526 : vector<16xi32>
      %lt3A_528 = vector.broadcast %sub3A_144 : i32 to vector<16xi32>
      %lt3A_529 = arith.cmpi slt, %add3A_525, %lt3A_528 : vector<16xi32>
      %and3A_530 = arith.andi %ge3A_527, %lt3A_529 : vector<16xi1>
      %jit3A_531 = arith.constant 0.000000e+00 : f32
      %broadcast_in_dim3A_532 = vector.broadcast %jit3A_531 : f32 to vector<16xf32>
      %select_n3A_533 = arith.select %and3A_530, %get3A_521, %broadcast_in_dim3A_532 : vector<16xi1>, vector<16xf32>
      %mul3A_534 = arith.constant 16 : i32
      %mul3A_535 = arith.muli %mul3A_534, %scan3A_515 : i32
      %swap3A_536 = arith.index_cast %mul3A_535 : i32 to index
      %swap3A_537 = tpu.vector_load %arg5[%swap3A_536] {strides = array<i32>} : memref<4096xf32, #tpu.memory_space<vmem>>, vector<16xf32>,
      %swap3A_538 = vector.shape_cast %swap3A_537 : vector<16xf32> to vector<16xf32>
      %swap3A_539 = vector.shape_cast %select_n3A_533 : vector<16xf32> to vector<16xf32>
      tpu.vector_store %arg5[%swap3A_536], %swap3A_539 {strides = array<i32>} : memref<4096xf32, #tpu.memory_space<vmem>>, vector<16xf32>,
      %scan3A_540 = arith.constant 0 : i32
      %scan3A_541 = arith.constant 255 : i32
      %mul3A_542 = arith.constant 16 : i32
      %mul3A_543 = arith.muli %mul3A_542, %scan3A_541 : i32
      %add3A_544 = arith.addi %sub3A_138, %mul3A_543 : i32
      %get3A_545 = arith.index_cast %add3A_544 : i32 to index
      %get3A_546 = tpu.vector_load %arg4[%get3A_545] {strides = array<i32>} : memref<4104xf32, #tpu.memory_space<vmem>>, vector<16xf32>,
      %get3A_547 = vector.shape_cast %get3A_546 : vector<16xf32> to vector<16xf32>
      %mul3A_548 = arith.constant 16 : i32
      %mul3A_549 = arith.muli %mul3A_548, %scan3A_541 : i32
      %add3A_550 = vector.broadcast %mul3A_549 : i32 to vector<16xi32>
      %add3A_551 = arith.addi %add3A_550, %iota3A : vector<16xi32>
      %ge3A_552 = vector.broadcast %max3A_140 : i32 to vector<16xi32>
      %ge3A_553 = arith.cmpi sge, %add3A_551, %ge3A_552 : vector<16xi32>
      %lt3A_554 = vector.broadcast %sub3A_144 : i32 to vector<16xi32>
      %lt3A_555 = arith.cmpi slt, %add3A_551, %lt3A_554 : vector<16xi32>
      %and3A_556 = arith.andi %ge3A_553, %lt3A_555 : vector<16xi1>
      %jit3A_557 = arith.constant 0.000000e+00 : f32
      %broadcast_in_dim3A_558 = vector.broadcast %jit3A_557 : f32 to vector<16xf32>
      %select_n3A_559 = arith.select %and3A_556, %get3A_547, %broadcast_in_dim3A_558 : vector<16xi1>, vector<16xf32>
      %mul3A_560 = arith.constant 16 : i32
      %mul3A_561 = arith.muli %mul3A_560, %scan3A_541 : i32
      %swap3A_562 = arith.index_cast %mul3A_561 : i32 to index
      %swap3A_563 = tpu.vector_load %arg5[%swap3A_562] {strides = array<i32>} : memref<4096xf32, #tpu.memory_space<vmem>>, vector<16xf32>,
      %swap3A_564 = vector.shape_cast %swap3A_563 : vector<16xf32> to vector<16xf32>
      %swap3A_565 = vector.shape_cast %select_n3A_559 : vector<16xf32> to vector<16xf32>
      tpu.vector_store %arg5[%swap3A_562], %swap3A_565 {strides = array<i32>} : memref<4096xf32, #tpu.memory_space<vmem>>, vector<16xf32>,
      %scan3A_566 = arith.constant 0 : i32
      %scan3A_567 = arith.constant 8 : i32
      "tpu.region"() ({
        %run_scoped3A = tpu.sem_alloc : memref<!tpu.dma_semaphore, #tpu.memory_space<semaphore_mem>>
        %dma_start3A = arith.constant 0 : i32
        %dma_start3A_569 = tpu.memref_slice %arg3[%add3A_41, %dma_start3A] : memref<384x4096xf32, #tpu.memory_space<hbm>> -> memref<1x4096xf32, #tpu.memory_space<hbm>>
        %dma_start3A_570 = tpu.memref_squeeze %dma_start3A_569 : memref<1x4096xf32, #tpu.memory_space<hbm>> -> memref<4096xf32, #tpu.memory_space<hbm>>
        %dma_start3A_571 = arith.constant 0 : i32
        %dma_start3A_572 = tpu.memref_slice %arg3[%add3A_41, %dma_start3A_571] : memref<384x4096xf32, #tpu.memory_space<hbm>> -> memref<1x4096xf32, #tpu.memory_space<hbm>>
        %dma_start3A_573 = tpu.memref_squeeze %dma_start3A_572 : memref<1x4096xf32, #tpu.memory_space<hbm>> -> memref<4096xf32, #tpu.memory_space<hbm>>
        tpu.enqueue_dma source(%arg5 : memref<4096xf32, #tpu.memory_space<vmem>>) target(%dma_start3A_573 : memref<4096xf32, #tpu.memory_space<hbm>>) target_semaphore(%run_scoped3A : memref<!tpu.dma_semaphore, #tpu.memory_space<semaphore_mem>>)
        %dma_wait3A = arith.constant 0 : i32
        %dma_wait3A_574 = tpu.memref_slice %arg3[%add3A_41, %dma_wait3A] : memref<384x4096xf32, #tpu.memory_space<hbm>> -> memref<1x4096xf32, #tpu.memory_space<hbm>>
        %dma_wait3A_575 = tpu.memref_squeeze %dma_wait3A_574 : memref<1x4096xf32, #tpu.memory_space<hbm>> -> memref<4096xf32, #tpu.memory_space<hbm>>
        %dma_wait3A_576 = arith.constant 0 : i32
        %dma_wait3A_577 = tpu.memref_slice %arg3[%add3A_41, %dma_wait3A_576] : memref<384x4096xf32, #tpu.memory_space<hbm>> -> memref<1x4096xf32, #tpu.memory_space<hbm>>
        %dma_wait3A_578 = tpu.memref_squeeze %dma_wait3A_577 : memref<1x4096xf32, #tpu.memory_space<hbm>> -> memref<4096xf32, #tpu.memory_space<hbm>>
        tpu.wait_dma2 semaphore(%run_scoped3A : memref<!tpu.dma_semaphore, #tpu.memory_space<semaphore_mem>>) src(%arg5 : memref<4096xf32, #tpu.memory_space<vmem>>) dst(%dma_wait3A_578 : memref<4096xf32, #tpu.memory_space<hbm>>)
        tpu.yield
      }) : () -> ()
      %while3A_568 = arith.constant 0 : i32
      scf.yield %while3A_568 : i32
    }
    %scan3A = arith.constant 0 : i32
    %scan3A_14 = arith.constant 0 : i32
    %scan3A_15 = arith.constant 256 : i32
    %scan3A_16 = arith.addi %scan3A_14, %scan3A_15 : i32
    %scan3A_17 = arith.constant 16 : i32
    %scan3A_18 = scf.for %scan3A_37 = %scan3A_14 to %scan3A_16 step %scan3A_17 iter_args(%scan3A_38 = %scan3A) -> (i32)  : i32 {
      %broadcast_in_dim3A = arith.constant 0.000000e+00 : f32
      %broadcast_in_dim3A_39 = vector.broadcast %broadcast_in_dim3A : f32 to vector<16xf32>
      %mul3A_40 = arith.constant 16 : i32
      %mul3A_41 = arith.muli %mul3A_40, %scan3A_37 : i32
      %swap3A = arith.index_cast %mul3A_41 : i32 to index
      %swap3A_42 = tpu.vector_load %arg5[%swap3A] {strides = array<i32>} : memref<4096xf32, #tpu.memory_space<vmem>>, vector<16xf32>,
      %swap3A_43 = vector.shape_cast %swap3A_42 : vector<16xf32> to vector<16xf32>
      %swap3A_44 = vector.shape_cast %broadcast_in_dim3A_39 : vector<16xf32> to vector<16xf32>
      tpu.vector_store %arg5[%swap3A], %swap3A_44 {strides = array<i32>} : memref<4096xf32, #tpu.memory_space<vmem>>, vector<16xf32>,
      %scan3A_45 = arith.constant 0 : i32
      %scan3A_46 = arith.constant 1 : i32
      %scan3A_47 = arith.addi %scan3A_37, %scan3A_46 : i32
      %broadcast_in_dim3A_48 = arith.constant 0.000000e+00 : f32
      %broadcast_in_dim3A_49 = vector.broadcast %broadcast_in_dim3A_48 : f32 to vector<16xf32>
      %mul3A_50 = arith.constant 16 : i32
      %mul3A_51 = arith.muli %mul3A_50, %scan3A_47 : i32
      %swap3A_52 = arith.index_cast %mul3A_51 : i32 to index
      %swap3A_53 = tpu.vector_load %arg5[%swap3A_52] {strides = array<i32>} : memref<4096xf32, #tpu.memory_space<vmem>>, vector<16xf32>,
      %swap3A_54 = vector.shape_cast %swap3A_53 : vector<16xf32> to vector<16xf32>
      %swap3A_55 = vector.shape_cast %broadcast_in_dim3A_49 : vector<16xf32> to vector<16xf32>
      tpu.vector_store %arg5[%swap3A_52], %swap3A_55 {strides = array<i32>} : memref<4096xf32, #tpu.memory_space<vmem>>, vector<16xf32>,
      %scan3A_56 = arith.constant 0 : i32
      %scan3A_57 = arith.constant 2 : i32
      %scan3A_58 = arith.addi %scan3A_37, %scan3A_57 : i32
      %broadcast_in_dim3A_59 = arith.constant 0.000000e+00 : f32
      %broadcast_in_dim3A_60 = vector.broadcast %broadcast_in_dim3A_59 : f32 to vector<16xf32>
      %mul3A_61 = arith.constant 16 : i32
      %mul3A_62 = arith.muli %mul3A_61, %scan3A_58 : i32
      %swap3A_63 = arith.index_cast %mul3A_62 : i32 to index
      %swap3A_64 = tpu.vector_load %arg5[%swap3A_63] {strides = array<i32>} : memref<4096xf32, #tpu.memory_space<vmem>>, vector<16xf32>,
      %swap3A_65 = vector.shape_cast %swap3A_64 : vector<16xf32> to vector<16xf32>
      %swap3A_66 = vector.shape_cast %broadcast_in_dim3A_60 : vector<16xf32> to vector<16xf32>
      tpu.vector_store %arg5[%swap3A_63], %swap3A_66 {strides = array<i32>} : memref<4096xf32, #tpu.memory_space<vmem>>, vector<16xf32>,
      %scan3A_67 = arith.constant 0 : i32
      %scan3A_68 = arith.constant 3 : i32
      %scan3A_69 = arith.addi %scan3A_37, %scan3A_68 : i32
      %broadcast_in_dim3A_70 = arith.constant 0.000000e+00 : f32
      %broadcast_in_dim3A_71 = vector.broadcast %broadcast_in_dim3A_70 : f32 to vector<16xf32>
      %mul3A_72 = arith.constant 16 : i32
      %mul3A_73 = arith.muli %mul3A_72, %scan3A_69 : i32
      %swap3A_74 = arith.index_cast %mul3A_73 : i32 to index
      %swap3A_75 = tpu.vector_load %arg5[%swap3A_74] {strides = array<i32>} : memref<4096xf32, #tpu.memory_space<vmem>>, vector<16xf32>,
      %swap3A_76 = vector.shape_cast %swap3A_75 : vector<16xf32> to vector<16xf32>
      %swap3A_77 = vector.shape_cast %broadcast_in_dim3A_71 : vector<16xf32> to vector<16xf32>
      tpu.vector_store %arg5[%swap3A_74], %swap3A_77 {strides = array<i32>} : memref<4096xf32, #tpu.memory_space<vmem>>, vector<16xf32>,
      %scan3A_78 = arith.constant 0 : i32
      %scan3A_79 = arith.constant 4 : i32
      %scan3A_80 = arith.addi %scan3A_37, %scan3A_79 : i32
      %broadcast_in_dim3A_81 = arith.constant 0.000000e+00 : f32
      %broadcast_in_dim3A_82 = vector.broadcast %broadcast_in_dim3A_81 : f32 to vector<16xf32>
      %mul3A_83 = arith.constant 16 : i32
      %mul3A_84 = arith.muli %mul3A_83, %scan3A_80 : i32
      %swap3A_85 = arith.index_cast %mul3A_84 : i32 to index
      %swap3A_86 = tpu.vector_load %arg5[%swap3A_85] {strides = array<i32>} : memref<4096xf32, #tpu.memory_space<vmem>>, vector<16xf32>,
      %swap3A_87 = vector.shape_cast %swap3A_86 : vector<16xf32> to vector<16xf32>
      %swap3A_88 = vector.shape_cast %broadcast_in_dim3A_82 : vector<16xf32> to vector<16xf32>
      tpu.vector_store %arg5[%swap3A_85], %swap3A_88 {strides = array<i32>} : memref<4096xf32, #tpu.memory_space<vmem>>, vector<16xf32>,
      %scan3A_89 = arith.constant 0 : i32
      %scan3A_90 = arith.constant 5 : i32
      %scan3A_91 = arith.addi %scan3A_37, %scan3A_90 : i32
      %broadcast_in_dim3A_92 = arith.constant 0.000000e+00 : f32
      %broadcast_in_dim3A_93 = vector.broadcast %broadcast_in_dim3A_92 : f32 to vector<16xf32>
      %mul3A_94 = arith.constant 16 : i32
      %mul3A_95 = arith.muli %mul3A_94, %scan3A_91 : i32
      %swap3A_96 = arith.index_cast %mul3A_95 : i32 to index
      %swap3A_97 = tpu.vector_load %arg5[%swap3A_96] {strides = array<i32>} : memref<4096xf32, #tpu.memory_space<vmem>>, vector<16xf32>,
      %swap3A_98 = vector.shape_cast %swap3A_97 : vector<16xf32> to vector<16xf32>
      %swap3A_99 = vector.shape_cast %broadcast_in_dim3A_93 : vector<16xf32> to vector<16xf32>
      tpu.vector_store %arg5[%swap3A_96], %swap3A_99 {strides = array<i32>} : memref<4096xf32, #tpu.memory_space<vmem>>, vector<16xf32>,
      %scan3A_100 = arith.constant 0 : i32
      %scan3A_101 = arith.constant 6 : i32
      %scan3A_102 = arith.addi %scan3A_37, %scan3A_101 : i32
      %broadcast_in_dim3A_103 = arith.constant 0.000000e+00 : f32
      %broadcast_in_dim3A_104 = vector.broadcast %broadcast_in_dim3A_103 : f32 to vector<16xf32>
      %mul3A_105 = arith.constant 16 : i32
      %mul3A_106 = arith.muli %mul3A_105, %scan3A_102 : i32
      %swap3A_107 = arith.index_cast %mul3A_106 : i32 to index
      %swap3A_108 = tpu.vector_load %arg5[%swap3A_107] {strides = array<i32>} : memref<4096xf32, #tpu.memory_space<vmem>>, vector<16xf32>,
      %swap3A_109 = vector.shape_cast %swap3A_108 : vector<16xf32> to vector<16xf32>
      %swap3A_110 = vector.shape_cast %broadcast_in_dim3A_104 : vector<16xf32> to vector<16xf32>
      tpu.vector_store %arg5[%swap3A_107], %swap3A_110 {strides = array<i32>} : memref<4096xf32, #tpu.memory_space<vmem>>, vector<16xf32>,
      %scan3A_111 = arith.constant 0 : i32
      %scan3A_112 = arith.constant 7 : i32
      %scan3A_113 = arith.addi %scan3A_37, %scan3A_112 : i32
      %broadcast_in_dim3A_114 = arith.constant 0.000000e+00 : f32
      %broadcast_in_dim3A_115 = vector.broadcast %broadcast_in_dim3A_114 : f32 to vector<16xf32>
      %mul3A_116 = arith.constant 16 : i32
      %mul3A_117 = arith.muli %mul3A_116, %scan3A_113 : i32
      %swap3A_118 = arith.index_cast %mul3A_117 : i32 to index
      %swap3A_119 = tpu.vector_load %arg5[%swap3A_118] {strides = array<i32>} : memref<4096xf32, #tpu.memory_space<vmem>>, vector<16xf32>,
      %swap3A_120 = vector.shape_cast %swap3A_119 : vector<16xf32> to vector<16xf32>
      %swap3A_121 = vector.shape_cast %broadcast_in_dim3A_115 : vector<16xf32> to vector<16xf32>
      tpu.vector_store %arg5[%swap3A_118], %swap3A_121 {strides = array<i32>} : memref<4096xf32, #tpu.memory_space<vmem>>, vector<16xf32>,
      %scan3A_122 = arith.constant 0 : i32
      %scan3A_123 = arith.constant 8 : i32
      %scan3A_124 = arith.addi %scan3A_37, %scan3A_123 : i32
      %broadcast_in_dim3A_125 = arith.constant 0.000000e+00 : f32
      %broadcast_in_dim3A_126 = vector.broadcast %broadcast_in_dim3A_125 : f32 to vector<16xf32>
      %mul3A_127 = arith.constant 16 : i32
      %mul3A_128 = arith.muli %mul3A_127, %scan3A_124 : i32
      %swap3A_129 = arith.index_cast %mul3A_128 : i32 to index
      %swap3A_130 = tpu.vector_load %arg5[%swap3A_129] {strides = array<i32>} : memref<4096xf32, #tpu.memory_space<vmem>>, vector<16xf32>,
      %swap3A_131 = vector.shape_cast %swap3A_130 : vector<16xf32> to vector<16xf32>
      %swap3A_132 = vector.shape_cast %broadcast_in_dim3A_126 : vector<16xf32> to vector<16xf32>
      tpu.vector_store %arg5[%swap3A_129], %swap3A_132 {strides = array<i32>} : memref<4096xf32, #tpu.memory_space<vmem>>, vector<16xf32>,
      %scan3A_133 = arith.constant 0 : i32
      %scan3A_134 = arith.constant 9 : i32
      %scan3A_135 = arith.addi %scan3A_37, %scan3A_134 : i32
      %broadcast_in_dim3A_136 = arith.constant 0.000000e+00 : f32
      %broadcast_in_dim3A_137 = vector.broadcast %broadcast_in_dim3A_136 : f32 to vector<16xf32>
      %mul3A_138 = arith.constant 16 : i32
      %mul3A_139 = arith.muli %mul3A_138, %scan3A_135 : i32
      %swap3A_140 = arith.index_cast %mul3A_139 : i32 to index
      %swap3A_141 = tpu.vector_load %arg5[%swap3A_140] {strides = array<i32>} : memref<4096xf32, #tpu.memory_space<vmem>>, vector<16xf32>,
      %swap3A_142 = vector.shape_cast %swap3A_141 : vector<16xf32> to vector<16xf32>
      %swap3A_143 = vector.shape_cast %broadcast_in_dim3A_137 : vector<16xf32> to vector<16xf32>
      tpu.vector_store %arg5[%swap3A_140], %swap3A_143 {strides = array<i32>} : memref<4096xf32, #tpu.memory_space<vmem>>, vector<16xf32>,
      %scan3A_144 = arith.constant 0 : i32
      %scan3A_145 = arith.constant 10 : i32
      %scan3A_146 = arith.addi %scan3A_37, %scan3A_145 : i32
      %broadcast_in_dim3A_147 = arith.constant 0.000000e+00 : f32
      %broadcast_in_dim3A_148 = vector.broadcast %broadcast_in_dim3A_147 : f32 to vector<16xf32>
      %mul3A_149 = arith.constant 16 : i32
      %mul3A_150 = arith.muli %mul3A_149, %scan3A_146 : i32
      %swap3A_151 = arith.index_cast %mul3A_150 : i32 to index
      %swap3A_152 = tpu.vector_load %arg5[%swap3A_151] {strides = array<i32>} : memref<4096xf32, #tpu.memory_space<vmem>>, vector<16xf32>,
      %swap3A_153 = vector.shape_cast %swap3A_152 : vector<16xf32> to vector<16xf32>
      %swap3A_154 = vector.shape_cast %broadcast_in_dim3A_148 : vector<16xf32> to vector<16xf32>
      tpu.vector_store %arg5[%swap3A_151], %swap3A_154 {strides = array<i32>} : memref<4096xf32, #tpu.memory_space<vmem>>, vector<16xf32>,
      %scan3A_155 = arith.constant 0 : i32
      %scan3A_156 = arith.constant 11 : i32
      %scan3A_157 = arith.addi %scan3A_37, %scan3A_156 : i32
      %broadcast_in_dim3A_158 = arith.constant 0.000000e+00 : f32
      %broadcast_in_dim3A_159 = vector.broadcast %broadcast_in_dim3A_158 : f32 to vector<16xf32>
      %mul3A_160 = arith.constant 16 : i32
      %mul3A_161 = arith.muli %mul3A_160, %scan3A_157 : i32
      %swap3A_162 = arith.index_cast %mul3A_161 : i32 to index
      %swap3A_163 = tpu.vector_load %arg5[%swap3A_162] {strides = array<i32>} : memref<4096xf32, #tpu.memory_space<vmem>>, vector<16xf32>,
      %swap3A_164 = vector.shape_cast %swap3A_163 : vector<16xf32> to vector<16xf32>
      %swap3A_165 = vector.shape_cast %broadcast_in_dim3A_159 : vector<16xf32> to vector<16xf32>
      tpu.vector_store %arg5[%swap3A_162], %swap3A_165 {strides = array<i32>} : memref<4096xf32, #tpu.memory_space<vmem>>, vector<16xf32>,
      %scan3A_166 = arith.constant 0 : i32
      %scan3A_167 = arith.constant 12 : i32
      %scan3A_168 = arith.addi %scan3A_37, %scan3A_167 : i32
      %broadcast_in_dim3A_169 = arith.constant 0.000000e+00 : f32
      %broadcast_in_dim3A_170 = vector.broadcast %broadcast_in_dim3A_169 : f32 to vector<16xf32>
      %mul3A_171 = arith.constant 16 : i32
      %mul3A_172 = arith.muli %mul3A_171, %scan3A_168 : i32
      %swap3A_173 = arith.index_cast %mul3A_172 : i32 to index
      %swap3A_174 = tpu.vector_load %arg5[%swap3A_173] {strides = array<i32>} : memref<4096xf32, #tpu.memory_space<vmem>>, vector<16xf32>,
      %swap3A_175 = vector.shape_cast %swap3A_174 : vector<16xf32> to vector<16xf32>
      %swap3A_176 = vector.shape_cast %broadcast_in_dim3A_170 : vector<16xf32> to vector<16xf32>
      tpu.vector_store %arg5[%swap3A_173], %swap3A_176 {strides = array<i32>} : memref<4096xf32, #tpu.memory_space<vmem>>, vector<16xf32>,
      %scan3A_177 = arith.constant 0 : i32
      %scan3A_178 = arith.constant 13 : i32
      %scan3A_179 = arith.addi %scan3A_37, %scan3A_178 : i32
      %broadcast_in_dim3A_180 = arith.constant 0.000000e+00 : f32
      %broadcast_in_dim3A_181 = vector.broadcast %broadcast_in_dim3A_180 : f32 to vector<16xf32>
      %mul3A_182 = arith.constant 16 : i32
      %mul3A_183 = arith.muli %mul3A_182, %scan3A_179 : i32
      %swap3A_184 = arith.index_cast %mul3A_183 : i32 to index
      %swap3A_185 = tpu.vector_load %arg5[%swap3A_184] {strides = array<i32>} : memref<4096xf32, #tpu.memory_space<vmem>>, vector<16xf32>,
      %swap3A_186 = vector.shape_cast %swap3A_185 : vector<16xf32> to vector<16xf32>
      %swap3A_187 = vector.shape_cast %broadcast_in_dim3A_181 : vector<16xf32> to vector<16xf32>
      tpu.vector_store %arg5[%swap3A_184], %swap3A_187 {strides = array<i32>} : memref<4096xf32, #tpu.memory_space<vmem>>, vector<16xf32>,
      %scan3A_188 = arith.constant 0 : i32
      %scan3A_189 = arith.constant 14 : i32
      %scan3A_190 = arith.addi %scan3A_37, %scan3A_189 : i32
      %broadcast_in_dim3A_191 = arith.constant 0.000000e+00 : f32
      %broadcast_in_dim3A_192 = vector.broadcast %broadcast_in_dim3A_191 : f32 to vector<16xf32>
      %mul3A_193 = arith.constant 16 : i32
      %mul3A_194 = arith.muli %mul3A_193, %scan3A_190 : i32
      %swap3A_195 = arith.index_cast %mul3A_194 : i32 to index
      %swap3A_196 = tpu.vector_load %arg5[%swap3A_195] {strides = array<i32>} : memref<4096xf32, #tpu.memory_space<vmem>>, vector<16xf32>,
      %swap3A_197 = vector.shape_cast %swap3A_196 : vector<16xf32> to vector<16xf32>
      %swap3A_198 = vector.shape_cast %broadcast_in_dim3A_192 : vector<16xf32> to vector<16xf32>
      tpu.vector_store %arg5[%swap3A_195], %swap3A_198 {strides = array<i32>} : memref<4096xf32, #tpu.memory_space<vmem>>, vector<16xf32>,
      %scan3A_199 = arith.constant 0 : i32
      %scan3A_200 = arith.constant 15 : i32
      %scan3A_201 = arith.addi %scan3A_37, %scan3A_200 : i32
      %broadcast_in_dim3A_202 = arith.constant 0.000000e+00 : f32
      %broadcast_in_dim3A_203 = vector.broadcast %broadcast_in_dim3A_202 : f32 to vector<16xf32>
      %mul3A_204 = arith.constant 16 : i32
      %mul3A_205 = arith.muli %mul3A_204, %scan3A_201 : i32
      %swap3A_206 = arith.index_cast %mul3A_205 : i32 to index
      %swap3A_207 = tpu.vector_load %arg5[%swap3A_206] {strides = array<i32>} : memref<4096xf32, #tpu.memory_space<vmem>>, vector<16xf32>,
      %swap3A_208 = vector.shape_cast %swap3A_207 : vector<16xf32> to vector<16xf32>
      %swap3A_209 = vector.shape_cast %broadcast_in_dim3A_203 : vector<16xf32> to vector<16xf32>
      tpu.vector_store %arg5[%swap3A_206], %swap3A_209 {strides = array<i32>} : memref<4096xf32, #tpu.memory_space<vmem>>, vector<16xf32>,
      %scan3A_210 = arith.constant 0 : i32
      scf.yield %scan3A_210 : i32
    }
    %scan3A_19 = arith.constant 256 : i32
    %lt3A_20 = arith.constant 31 : i32
    %lt3A_21 = arith.cmpi slt, %add3A, %lt3A_20 : i32
    %jit3A_22 = arith.constant 4 : i32
    %jit3A_23 = arith.constant 3 : i32
    %select_n3A_24 = arith.select %lt3A_21, %jit3A_22, %jit3A_23 : i32
    %while3A_25 = arith.constant 0 : i32
    %while3A_26 = arith.constant 0 : i32
    %while3A_27 = arith.subi %select_n3A_24, %while3A_25 : i32
    %while3A_28 = arith.addi %while3A_25, %while3A_27 : i32
    %while3A_29 = arith.constant 1 : i32
    %while3A_30 = arith.divsi %while3A_27, %while3A_29 : i32
    %while3A_31 = arith.muli %while3A_30, %while3A_29 : i32
    %while3A_32 = arith.addi %while3A_25, %while3A_31 : i32
    %while3A_33 = arith.constant 1 : i32
    %while3A_34 = scf.for %while3A_37 = %while3A_25 to %while3A_32 step %while3A_33 iter_args(%while3A_38 = %while3A_26) -> (i32)  : i32 {
      %add3A_39 = arith.constant 257 : i32
      %add3A_40 = arith.addi %add3A_39, %add3A : i32
      %mul3A_41 = arith.constant 32 : i32
      %mul3A_42 = arith.muli %mul3A_41, %while3A_37 : i32
      %add3A_43 = arith.addi %add3A_40, %mul3A_42 : i32
      "tpu.region"() ({
        %run_scoped3A = tpu.sem_alloc : memref<!tpu.dma_semaphore, #tpu.memory_space<semaphore_mem>>
        %dma_start3A = arith.constant 0 : i32
        %dma_start3A_45 = tpu.memref_slice %arg3[%add3A_43, %dma_start3A] : memref<384x4096xf32, #tpu.memory_space<hbm>> -> memref<1x4096xf32, #tpu.memory_space<hbm>>
        %dma_start3A_46 = tpu.memref_squeeze %dma_start3A_45 : memref<1x4096xf32, #tpu.memory_space<hbm>> -> memref<4096xf32, #tpu.memory_space<hbm>>
        %dma_start3A_47 = arith.constant 0 : i32
        %dma_start3A_48 = tpu.memref_slice %arg3[%add3A_43, %dma_start3A_47] : memref<384x4096xf32, #tpu.memory_space<hbm>> -> memref<1x4096xf32, #tpu.memory_space<hbm>>
        %dma_start3A_49 = tpu.memref_squeeze %dma_start3A_48 : memref<1x4096xf32, #tpu.memory_space<hbm>> -> memref<4096xf32, #tpu.memory_space<hbm>>
        tpu.enqueue_dma source(%arg5 : memref<4096xf32, #tpu.memory_space<vmem>>) target(%dma_start3A_49 : memref<4096xf32, #tpu.memory_space<hbm>>) target_semaphore(%run_scoped3A : memref<!tpu.dma_semaphore, #tpu.memory_space<semaphore_mem>>)
        %dma_wait3A = arith.constant 0 : i32
        %dma_wait3A_50 = tpu.memref_slice %arg3[%add3A_43, %dma_wait3A] : memref<384x4096xf32, #tpu.memory_space<hbm>> -> memref<1x4096xf32, #tpu.memory_space<hbm>>
        %dma_wait3A_51 = tpu.memref_squeeze %dma_wait3A_50 : memref<1x4096xf32, #tpu.memory_space<hbm>> -> memref<4096xf32, #tpu.memory_space<hbm>>
        %dma_wait3A_52 = arith.constant 0 : i32
        %dma_wait3A_53 = tpu.memref_slice %arg3[%add3A_43, %dma_wait3A_52] : memref<384x4096xf32, #tpu.memory_space<hbm>> -> memref<1x4096xf32, #tpu.memory_space<hbm>>
        %dma_wait3A_54 = tpu.memref_squeeze %dma_wait3A_53 : memref<1x4096xf32, #tpu.memory_space<hbm>> -> memref<4096xf32, #tpu.memory_space<hbm>>
        tpu.wait_dma2 semaphore(%run_scoped3A : memref<!tpu.dma_semaphore, #tpu.memory_space<semaphore_mem>>) src(%arg5 : memref<4096xf32, #tpu.memory_space<vmem>>) dst(%dma_wait3A_54 : memref<4096xf32, #tpu.memory_space<hbm>>)
        tpu.yield
      }) : () -> ()
      %while3A_44 = arith.constant 0 : i32
      scf.yield %while3A_44 : i32
    }
    %while3A_35 = arith.constant 1 : i32
    %while3A_36 = scf.for %while3A_37 = %while3A_32 to %while3A_28 step %while3A_35 iter_args(%while3A_38 = %while3A_34) -> (i32)  : i32 {
      %add3A_39 = arith.constant 257 : i32
      %add3A_40 = arith.addi %add3A_39, %add3A : i32
      %mul3A_41 = arith.constant 32 : i32
      %mul3A_42 = arith.muli %mul3A_41, %while3A_37 : i32
      %add3A_43 = arith.addi %add3A_40, %mul3A_42 : i32
      "tpu.region"() ({
        %run_scoped3A = tpu.sem_alloc : memref<!tpu.dma_semaphore, #tpu.memory_space<semaphore_mem>>
        %dma_start3A = arith.constant 0 : i32
        %dma_start3A_45 = tpu.memref_slice %arg3[%add3A_43, %dma_start3A] : memref<384x4096xf32, #tpu.memory_space<hbm>> -> memref<1x4096xf32, #tpu.memory_space<hbm>>
        %dma_start3A_46 = tpu.memref_squeeze %dma_start3A_45 : memref<1x4096xf32, #tpu.memory_space<hbm>> -> memref<4096xf32, #tpu.memory_space<hbm>>
        %dma_start3A_47 = arith.constant 0 : i32
        %dma_start3A_48 = tpu.memref_slice %arg3[%add3A_43, %dma_start3A_47] : memref<384x4096xf32, #tpu.memory_space<hbm>> -> memref<1x4096xf32, #tpu.memory_space<hbm>>
        %dma_start3A_49 = tpu.memref_squeeze %dma_start3A_48 : memref<1x4096xf32, #tpu.memory_space<hbm>> -> memref<4096xf32, #tpu.memory_space<hbm>>
        tpu.enqueue_dma source(%arg5 : memref<4096xf32, #tpu.memory_space<vmem>>) target(%dma_start3A_49 : memref<4096xf32, #tpu.memory_space<hbm>>) target_semaphore(%run_scoped3A : memref<!tpu.dma_semaphore, #tpu.memory_space<semaphore_mem>>)
        %dma_wait3A = arith.constant 0 : i32
        %dma_wait3A_50 = tpu.memref_slice %arg3[%add3A_43, %dma_wait3A] : memref<384x4096xf32, #tpu.memory_space<hbm>> -> memref<1x4096xf32, #tpu.memory_space<hbm>>
        %dma_wait3A_51 = tpu.memref_squeeze %dma_wait3A_50 : memref<1x4096xf32, #tpu.memory_space<hbm>> -> memref<4096xf32, #tpu.memory_space<hbm>>
        %dma_wait3A_52 = arith.constant 0 : i32
        %dma_wait3A_53 = tpu.memref_slice %arg3[%add3A_43, %dma_wait3A_52] : memref<384x4096xf32, #tpu.memory_space<hbm>> -> memref<1x4096xf32, #tpu.memory_space<hbm>>
        %dma_wait3A_54 = tpu.memref_squeeze %dma_wait3A_53 : memref<1x4096xf32, #tpu.memory_space<hbm>> -> memref<4096xf32, #tpu.memory_space<hbm>>
        tpu.wait_dma2 semaphore(%run_scoped3A : memref<!tpu.dma_semaphore, #tpu.memory_space<semaphore_mem>>) src(%arg5 : memref<4096xf32, #tpu.memory_space<vmem>>) dst(%dma_wait3A_54 : memref<4096xf32, #tpu.memory_space<hbm>>)
        tpu.yield
      }) : () -> ()
      %while3A_44 = arith.constant 0 : i32
      scf.yield %while3A_44 : i32
    }
    return
  }
}

module attributes {stable_mosaic.version = 14 : i64} {
  func.func @_expand_kernel(%arg0: i32, %arg1: memref<384x128xf32, #tpu.memory_space<vmem>>, %arg2: memref<128x4096xf32, #tpu.memory_space<vmem>>) attributes {dimension_semantics = [#tpu.dimension_semantics<arbitrary>], iteration_bounds = array<i64: 32>, scalar_prefetch = 0 : i64, scratch_operands = 0 : i64, tpu.core_type = #tpu.core_type<tc>, window_params = [{transform_indices = @transform_0, window_bounds = array<i64: 384, 128>}, {transform_indices = @transform_1, window_bounds = array<i64: 128, 4096>}]} {
    %get3A = arith.constant 0 : index
    %get3A_0 = arith.constant 0 : index
    %get3A_1 = vector.load %arg1[%get3A, %get3A_0] : memref<384x128xf32, #tpu.memory_space<vmem>>, vector<384x128xf32>
    %transpose3A = tpu.transpose %get3A_1, [1, 0] : vector<384x128xf32> -> vector<128x384xf32>
    %eq3A = arith.constant 0 : i32
    %eq3A_2 = arith.cmpi eq, %arg0, %eq3A : i32
    %eq3A_3 = arith.constant 31 : i32
    %eq3A_4 = arith.cmpi eq, %arg0, %eq3A_3 : i32
    %jit3A = arith.constant 128 : i32
    %jit3A_5 = arith.constant 0 : i32
    %select_n3A = arith.select %eq3A_4, %jit3A, %jit3A_5 : i32
    %jit3A_6 = arith.constant 256 : i32
    %select_n3A_7 = arith.select %eq3A_2, %jit3A_6, %select_n3A : i32
    %roll3A = tpu.dynamic_rotate %transpose3A by %select_n3A_7 dim 1 : vector<128x384xf32>, i32 -> vector<128x384xf32>
    %roll3A_8 = arith.constant 0 : i32
    %roll3A_9 = tpu.dynamic_rotate %roll3A by %roll3A_8 dim 1 {stride = 1 : si32, stride_dimension = 0 : si32} : vector<128x384xf32>, i32 -> vector<128x384xf32>
    %lt3A = arith.constant 4 : i32
    %lt3A_10 = arith.cmpi slt, %arg0, %lt3A : i32
    %convert_element_type3A = arith.extui %lt3A_10 : i1 to i32
    %cond3A = arith.constant 0 : i32
    %cond3A_11 = arith.cmpi ne, %convert_element_type3A, %cond3A : i32
    scf.if %cond3A_11 {
      %broadcast_in_dim3A = arith.constant 0.000000e+00 : f32
      %broadcast_in_dim3A_22 = vector.broadcast %broadcast_in_dim3A : f32 to vector<128x4096xf32>
      %swap3A_23 = arith.constant 0 : index
      %swap3A_24 = arith.constant 0 : index
      %swap3A_25 = vector.load %arg2[%swap3A_23, %swap3A_24] : memref<128x4096xf32, #tpu.memory_space<vmem>>, vector<128x4096xf32>
      tpu.vector_store %arg2[%swap3A_23, %swap3A_24], %broadcast_in_dim3A_22 {strides = array<i32>} : memref<128x4096xf32, #tpu.memory_space<vmem>>, vector<128x4096xf32>,
    } else {
    }
    %ge3A = arith.constant 4 : i32
    %ge3A_12 = arith.cmpi sge, %arg0, %ge3A : i32
    %convert_element_type3A_13 = arith.extui %ge3A_12 : i1 to i32
    %cond3A_14 = arith.constant 0 : i32
    %cond3A_15 = arith.cmpi ne, %convert_element_type3A_13, %cond3A_14 : i32
    scf.if %cond3A_15 {
      %sub3A_22 = arith.constant 5 : i32
      %sub3A_23 = arith.subi %arg0, %sub3A_22 : i32
      %jit3A_24 = arith.constant 0 : i32
      %jit3A_25 = arith.constant 26 : i32
      %max3A_26 = arith.maxsi %jit3A_24, %sub3A_23 : i32
      %min3A_27 = arith.minsi %jit3A_25, %max3A_26 : i32
      %mul3A_28 = arith.constant 128 : i32
      %mul3A_29 = arith.muli %mul3A_28, %min3A_27 : i32
      %broadcast_in_dim3A = arith.constant 0.000000e+00 : f32
      %broadcast_in_dim3A_30 = vector.broadcast %broadcast_in_dim3A : f32 to vector<128x768xf32>
      %swap3A_31 = arith.constant 0 : index
      %swap3A_32 = arith.index_cast %mul3A_29 : i32 to index
      %swap3A_33 = vector.load %arg2[%swap3A_31, %swap3A_32] : memref<128x4096xf32, #tpu.memory_space<vmem>>, vector<128x768xf32>
      tpu.vector_store %arg2[%swap3A_31, %swap3A_32], %broadcast_in_dim3A_30 {strides = array<i32>} : memref<128x4096xf32, #tpu.memory_space<vmem>>, vector<128x768xf32>,
    } else {
    }
    %sub3A = arith.constant 1 : i32
    %sub3A_16 = arith.subi %arg0, %sub3A : i32
    %jit3A_17 = arith.constant 0 : i32
    %jit3A_18 = arith.constant 29 : i32
    %max3A = arith.maxsi %jit3A_17, %sub3A_16 : i32
    %min3A = arith.minsi %jit3A_18, %max3A : i32
    %mul3A = arith.constant 128 : i32
    %mul3A_19 = arith.muli %mul3A, %min3A : i32
    %swap3A = arith.constant 0 : index
    %swap3A_20 = arith.index_cast %mul3A_19 : i32 to index
    %swap3A_21 = vector.load %arg2[%swap3A, %swap3A_20] : memref<128x4096xf32, #tpu.memory_space<vmem>>, vector<128x384xf32>
    tpu.vector_store %arg2[%swap3A, %swap3A_20], %roll3A_9 {strides = array<i32>} : memref<128x4096xf32, #tpu.memory_space<vmem>>, vector<128x384xf32>,
    return
  }
  func.func @transform_0(%arg0: i32) -> (i32, i32) {
    %c0_i32 = arith.constant 0 : i32
    %c0_i32_0 = arith.constant 0 : i32
    return %c0_i32, %arg0 : i32, i32
  }
  func.func @transform_1(%arg0: i32) -> (i32, i32) {
    %c0_i32 = arith.constant 0 : i32
    %c0_i32_0 = arith.constant 0 : i32
    return %arg0, %c0_i32 : i32, i32
  }
}

</mosaic_0001>

<sc_bundles>
// kernel: kernel.4.cloned.1.call-start
scs
__scs_entry_jumppad:
0x0: {  	(pc) =	sbr.rel $0x88, $3  }
0x1: {  	(tag) =	ssettag $0x0;
	lr =	simm.s32 $0x1  }
0x2: {  	[smem:$0x3FA0] =	sst lr;
	_ =	strace $0xD0000000  }
0x3: {  	_ = 	snop  }
0x4: {  	_ = 	snop  }
0x5: {  	_ = 	snop  }
0x6: {  	_ = 	snop  }
0x7: {  	_ = 	snop  }
__scs_overlays_trampoline_lowered:
0x8: {  	[smem:$0x3FAF] =	sst s0  }
0x9: {  	[smem:$0x3FB0] =	sst s1  }
0xa: {  	[smem:$0x3FB1] =	sst s2  }
0xb: {  	[smem:$0x3FB2] =	sst s3  }
0xc: {  	[smem:$0x3FB3] =	sst s4  }
0xd: {  	[smem:$0x3FB4] =	sst s5  }
0xe: {  	[smem:$0x3FB5] =	sst s6  }
0xf: {  	[smem:$0x3FB6] =	sst s7  }
0x10: {  	[smem:$0x3FB7] =	sst s8  }
0x11: {  	[smem:$0x3FB8] =	sst s9;
	s0 =	simm.s32 @!p0 $0x0  }
0x12: {  	s1 =	sld [smem:$0x3F9E];
	s0 =	simm.s32 @p0 $0x1  }
0x13: {  	[smem:$0x3FB9] =	sst s0;
	s0 =	simm.s32 @!p1 $0x0  }
0x14: {  	s2 =	sld [smem:$0x3F9D];
	s0 =	simm.s32 @p1 $0x1  }
0x15: {  	[smem:$0x3FBA] =	sst s0;
	s0 =	simm.s32 @!p2 $0x0  }
0x16: {  	s3 =	sld [smem:$0x3FDB];
	s0 =	simm.s32 @p2 $0x1  }
0x17: {  	s4 =	simm.s32 $0x1BF5;
	[smem:$0x3FBC] =	sst s0  }
0x18: {  	s0 =	sld [smem:$0x3F9F];
	_ =	swait.ge [sflag:s4], $0x0  }
0x19: {  	s7 =	sld [smem:$0x3FA0]  }
0x1a: {  	s8 =	sadd.s32 $0xFFFFE003, lr  }
0x1b: {  	s9 =	sadd.s32 $0xFFFFFEF7, lr;
	s5 =	simm.s32 $0xFFFFFFFF;
	p2 =	slt.u32 s8, $0xFFFFF086  }
0x1c: {  	p1 =	slt.u32 s9, $0xF7A;
	s5 =	simm.s32 @!p2 $0x0  }
0x1d: {  	s5 =	simm.s32 @p1 $0x1;
	p0 =	seq.s32 s7, s2  }
0x1e: {  	s7 =	smul.u32 @!p0 $0xF7A, s2;
	p2 =	seq.s32 @!p0 s5, $0x0  }
0x1f: {  	s9 =	smul.u32 $0xF7A, s1;
	s8 =	simm.s32 @!p0 $0x1BF5;
	p2 =	por !p2, p0  }
0x20: {  	[sflag:s8] =	ssyncset.s32 @!p0 $0xFFFFF086;
	s6 =	sadd.s32 @!p0 s3, s7;
	s7 =	simm.s32 @!p0 $0x108  }
0x21: {  	s3 =	sadd.s32 s3, s9;
	s6 =	sadd.s32 @!p0 $0x88, s6;
	s7 =	simm.s32 @p2 $0x1082  }
0x22: {  	[simem:s7], [sflag:s8] =	dma.local @!p0 [hbm:s6], $0xF7A  }
0x23: {  	s9 =	sor.u32 $0xD0000000, s2;
	s6 =	simm.s32 $0x108;
	_ =	swait.ge @!p0 [sflag:s8], $0x0  }
0x24: {  	s3 =	sadd.s32 $0x88, s3;
	s6 =	simm.s32 @!p1 $0x1082;
	[sflag:s4] =	ssyncset.s32 $0xFFFFF086  }
0x25: {  	[simem:s6], [sflag:s4] =	dma.local [hbm:s3], $0xF7A  }
0x26: {  	[smem:$0x3FA0] =	sst s1;
	(tag) =	ssettag s2;
	_ =	strace s9  }
0x27: {  	s1 =	sld [smem:$0x3FB0]  }
0x28: {  	s2 =	sld [smem:$0x3FB1]  }
0x29: {  	s4 =	sld [smem:$0x3FB3]  }
0x2a: {  	p0 =	seq.s32 s5, $0x0;
	s5 =	sld [smem:$0x3FB4]  }
0x2b: {  	s6 =	sld [smem:$0x3FB5]  }
0x2c: {  	s7 =	sld [smem:$0x3FB6]  }
0x2d: {  	s3 =	simm.s32 $0x108;
	s8 =	sld [smem:$0x3FB7]  }
0x2e: {  	s3 =	simm.s32 @!p0 $0x1082;
	s9 =	sld [smem:$0x3FB8]  }
0x2f: {  	lr =	sadd.s32 s0, s3;
	s0 =	sld [smem:$0x3FAF]  }
0x30: {  	s3 =	sld [smem:$0x3FB2]  }
0x31: {  	[smem:$0x3FBB] =	sst s10  }
0x32: {  	s10 =	sld [smem:$0x3FB9];
	_ =	sdelay $0x3  }
0x33: {  	p0 =	seq.s32 s10, $0x1;
	s10 =	sld [smem:$0x3FBB];
	_ =	sdelay $0x3  }
0x34: {  	[smem:$0x3FBB] =	sst s10  }
0x35: {  	s10 =	sld [smem:$0x3FBA];
	_ =	sdelay $0x3  }
0x36: {  	p1 =	seq.s32 s10, $0x1;
	s10 =	sld [smem:$0x3FBB];
	_ =	sdelay $0x3  }
0x37: {  	[smem:$0x3FBB] =	sst s10  }
0x38: {  	s10 =	sld [smem:$0x3FBC]  }
0x39: {  	_ = 	snop;
	(pc) =	sbr.ind lr, $3  }
0x3a: {  	_ = 	snop  }
0x3b: {  	_ = 	snop  }
0x3c: {  	p2 =	seq.s32 s10, $0x1;
	s10 =	sld [smem:$0x3FBB]  }
0x3d: {  	_ =	shalt  }
0x3e: {  	_ =	shalt  }
0x3f: {  	_ =	shalt  }
0x40: {  	_ =	shalt  }
0x41: {  	_ =	shalt  }
0x42: {  	_ =	shalt  }
0x43: {  	_ =	shalt  }
0x44: {  	_ =	shalt  }
0x45: {  	_ =	shalt  }
0x46: {  	_ =	shalt  }
0x47: {  	_ =	shalt  }
0x48: {  	_ =	shalt  }
0x49: {  	_ =	shalt  }
0x4a: {  	_ =	shalt  }
0x4b: {  	_ =	shalt  }
0x4c: {  	_ =	shalt  }
0x4d: {  	_ =	shalt  }
0x4e: {  	_ =	shalt  }
0x4f: {  	_ =	shalt  }
0x50: {  	_ =	shalt  }
0x51: {  	_ =	shalt  }
0x52: {  	_ =	shalt  }
0x53: {  	_ =	shalt  }
0x54: {  	_ =	shalt  }
0x55: {  	_ =	shalt  }
0x56: {  	_ =	shalt  }
0x57: {  	_ =	shalt  }
0x58: {  	_ =	shalt  }
0x59: {  	_ =	shalt  }
0x5a: {  	_ =	shalt  }
0x5b: {  	_ =	shalt  }
0x5c: {  	_ =	shalt  }
0x5d: {  	_ =	shalt  }
0x5e: {  	_ =	shalt  }
0x5f: {  	_ =	shalt  }
0x60: {  	_ =	shalt  }
0x61: {  	_ =	shalt  }
0x62: {  	_ =	shalt  }
0x63: {  	_ =	shalt  }
0x64: {  	_ =	shalt  }
0x65: {  	_ =	shalt  }
0x66: {  	_ =	shalt  }
0x67: {  	_ =	shalt  }
0x68: {  	_ =	shalt  }
0x69: {  	_ =	shalt  }
0x6a: {  	_ =	shalt  }
0x6b: {  	_ =	shalt  }
0x6c: {  	_ =	shalt  }
0x6d: {  	_ =	shalt  }
0x6e: {  	_ =	shalt  }
0x6f: {  	_ =	shalt  }
0x70: {  	_ =	shalt  }
0x71: {  	_ =	shalt  }
0x72: {  	_ =	shalt  }
0x73: {  	_ =	shalt  }
0x74: {  	_ =	shalt  }
0x75: {  	_ =	shalt  }
0x76: {  	_ =	shalt  }
0x77: {  	_ =	shalt  }
0x78: {  	_ =	shalt  }
0x79: {  	_ =	shalt  }
0x7a: {  	_ =	shalt  }
0x7b: {  	_ =	shalt  }
0x7c: {  	_ =	shalt  }
0x7d: {  	_ =	shalt  }
0x7e: {  	_ =	shalt  }
0x7f: {  	_ =	shalt  }
0x80: {  	_ =	shalt  }
0x81: {  	_ =	shalt  }
0x82: {  	_ =	shalt  }
0x83: {  	_ =	shalt  }
0x84: {  	_ =	shalt  }
0x85: {  	_ =	shalt  }
0x86: {  	_ =	shalt  }
0x87: {  	_ =	shalt  }
.Lfunc_end0:
.L_simem_size_0:
called_computation_lowered:
.L_overlay_start_0:
0x88: {  	s2 =	sld [smem:$0x3FD9]  }
0x89: {  	s3 =	sld [smem:$0x3FFE];
	_ =	sdelay $0x1  }
0x8a: {  	s1 =	srdreg.scid  }
0x8b: {  	s0 =	sand.u32 $0x1, s1  }
0x8c: {  	s17 =	sshll.u32 s0, $0xA;
	s2 =	sadd.s32 s3, s2  }
0x8d: {  	s2 =	sadd.s32 s2, s17  }
0x8e: {  	[smem:$0x3FC7] =	sst s2  }
0x8f: {  	_ = 	snop  }
0x90: {  	s2 =	sld [smem:$0x3FD0];
	(tm) =	ssettm $0x1  }
0x91: {  	s18 =	sld [smem:$0x3FFB];
	_ =	sdelay $0x3  }
0x92: {  	_ =	strace s18  }
0x93: {  	s3 =	sld [smem:$0x3FFC];
	_ =	sdelay $0x3  }
0x94: {  	_ =	strace s3  }
0x95: {  	s3 =	sld [smem:$0x3FFD];
	_ =	sdelay $0x3  }
0x96: {  	_ =	strace s3  }
0x97: {  	_ =	strace $0x8FFFFFFF  }
0x98: {  	s19 =	sld [smem:$0x3FDB];
	_ =	sdelay $0x1  }
0x99: {  	s4 =	simm.s32 $_scs_section_size  }
0x9a: {  	s5 =	simm.s32 $_size__tile_overlayer_lowered;
	s6 =	simm.s32 $_tile_overlayer_lowered  }
0x9b: {  	s22 =	simm.s32 $0x1BFF;
	s21 =	sshll.u32 s6, $0x1;
	s3 =	sadd.s32 s4, s19  }
0x9c: {  	s7 =	simm.s32 $0x0;
	s20 =	sshll.u32 s5, $0x1;
	s5 =	sadd.s32 s21, s3  }
0x9d: {  	[timem:s7], [sflag:s22] =	dma.local [hbm:s5], s20  }
0x9e: {  	_ =	swait.ge [sflag:s22], s20  }
0x9f: {  	s4 =	ssub.s32 $0x0, s20;
	[sflag:s22] =	ssyncset.done $0x0  }
0xa0: {  	[sflag:s22] =	ssyncadd.s32 s4;
	_ =	sdelay $0x1  }
0xa1: {  	s23 =	simm.s32 $0x1B8B  }
0xa2: {  	_ =	swait.ge [sflag:s23], $0x1  }
0xa3: {  	[sflag:s23] =	ssyncset.done $0x0  }
0xa4: {  	s25 =	simm.s32 $0x1B8E;
	s24 =	sld [smem:$0x3FFE];
	[sflag:s23] =	ssyncadd.s32 $0xFFFFFFFF  }
0xa5: {  	s26 =	simm.s32 $execute0_lowered;
	[smem:$0x3FD2] =	sst s25  }
0xa6: {  	s5 =	sshll.u32 s26, $0x1;
	_ =	strace $0x80000046;
	[dreg:$0x1] =	wrdreg $0xFFFFFFFF  }
0xa7: {  	s28 =	simm.s32 $_size_execute0_lowered;
	s3 =	sadd.s32 s3, s5;
	[dreg:$0x0] =	wrdreg $0x0  }
0xa8: {  	s5 =	sshll.u32 s28, $0x1;
	[dreg:$0x2] =	wrdreg s3  }
0xa9: {  	[dreg:$0x3] =	wrdreg s5  }
0xaa: {  	[dreg:$0x4] =	wrdreg $0xC0  }
0xab: {  	_ =	task [dreg:s7], $0x5FFFF  }
0xac: {  	[dreg:$0x1] =	wrdreg $0xFFFFFFFF  }
0xad: {  	[dreg:$0x0] =	wrdreg $0x60  }
0xae: {  	[dreg:$0x2] =	wrdreg s24  }
0xaf: {  	[dreg:$0x3] =	wrdreg s2  }
0xb0: {  	[dreg:$0x4] =	wrdreg $0x9  }
0xb1: {  	_ =	task.clear_ibuf [dreg:s7], $0x5FFFF;
	_ =	strace $0x90000046  }
0xb2: {  	s29 =	simm.s32 $0x9;
	_ =	strace $0x80000048  }
0xb3: {  	_ =	swait.ge [sflag:s29], $0x1  }
0xb4: {  	[sflag:s29] =	ssyncadd.s32 $0xFFFFFFFF  }
0xb5: {  	_ =	strace $0x90000048  }
0xb6: {  	_ =	sfence  }
0xb7: {  	s30 =	sld [smem:$0x0];
	_ =	sdelay $0x2  }
0xb8: {  	s31 =	sshll.u32 s1, $0xD;
	s1 =	sshrl.u32 s1, $0x2  }
0xb9: {  	s3 =	sand.u32 $0x4000, s31;
	s1 =	sadd.s32 s1, s30  }
0xba: {  	s0 =	sor.u32 s3, s0;
	s1 =	sshll.u32 s1, $0x11  }
0xbb: {  	s0 =	sor.u32 s1, s0  }
0xbc: {  	s0 =	sadd.s32 $0x8F2B, s0  }
0xbd: {  	[sflag:s0] =	ssyncadd.remote.s32 $0x1  }
0xbe: {  	_ =	sfence.sel $0xFFFF  }
0xbf: {  	[dreg:$0x0] =	wrdreg $0xFFFFFFFF;
	(pc) =	sbr.abs _section_cstart, $3  }
0xc0: {  	[dreg:$0x1] =	wrdreg $0xFFFFFFFF  }
0xc1: {  	_ =	task.clear_ibuf [dreg:s7], $0x2FFFF;
	_ =	strace $0x9FFFFFFF  }
0xc2: {  	(tm) =	ssettm $0x7FFFFFFF  }
0xc3: {  	_ =	shalt  }
tec
execute0_lowered:
.L_overlay_start_1:
0x0: {  	(tag) =	ssettag $0x1  }
0x1: {  	s6 =	rddreg [dreg:$0x0]  }
0x2: {  	s1 =	rddreg [dreg:$0x1]  }
0x3: {  	s0 =	rddreg [dreg:$0x2];
	v0 =	vlaneseq.u32  }
0x4: {  	s3 =	simm.s32 $0x0;
	s4 =	srdreg.scid;
	s2 =	stileid.u32;
	v32 =	vimm.f32 $0.0e+00;
	v1 =	vadd.s32 $0x1, v0  }
0x5: {  	s5 =	simm.s32 $0x9;
	s14 =	simm.s32 $0x80;
	s15 =	simm.s32 $0x400;
	v2 =	vadd.s32 $0x11, v0;
	v3 =	vor.u32 $0x10, v0;
	v4 =	vadd.s32 $0x21, v0  }
0x6: {  	s16 =	simm.s32 $0x1080;
	s17 =	simm.s32 $0x0;
	[smem:$0x7FF] =	sst s3;
	v5 =	vor.u32 $0x20, v0;
	v6 =	vadd.s32 $0x31, v0;
	v7 =	vor.u32 $0x30, v0  }
0x7: {  	s10 =	sand.u32 $0x1, s4;
	s31 =	sshll.u32 s2, $0x1;
	v8 =	vadd.s32 $0x41, v0;
	v9 =	vor.u32 $0x40, v0;
	v10 =	vadd.s32 $0x51, v0;
	s6 =	sadd.s32 $0x200, s6  }
0x8: {  	v11 =	vor.u32 $0x50, v0;
	v12 =	vadd.s32 $0x61, v0;
	v13 =	vor.u32 $0x60, v0;
	s12 =	sshll.u32 s2, $0xD;
	_ =	strace $0x80000047;
	s7 =	ssub.s32 $0x2, s10  }
0x9: {  	v14 =	vadd.s32 $0x71, v0;
	v15 =	vor.u32 $0x70, v0;
	v16 =	vadd.s32 $0xF81, v0;
	s4 =	sor.u32 s10, s31;
	s13 =	sshll.u32 s10, $0xC;
	s8 =	sshrl.u32 s7, $0x1  }
0xa: {  	v17 =	vor.u32 $0xF80, v0;
	v18 =	vadd.s32 $0xF91, v0;
	v19 =	vor.u32 $0xF90, v0;
	p0 =	seq.s32 s4, $0x0;
	s9 =	sshll.u32 s4, $0x7;
	s12 =	sor.u32 s13, s12  }
0xb: {  	v20 =	vadd.s32 $0xFA1, v0;
	v21 =	vor.u32 $0xFA0, v0;
	v22 =	vadd.s32 $0xFB1, v0;
	s13 =	simm.s32 $0x1;
	s11 =	ssub.s32 s7, s8;
	s5 =	simm.s32 @!p0 $0x8  }
0xc: {  	v23 =	vor.u32 $0xFB0, v0;
	v24 =	vadd.s32 $0xFC1, v0;
	v25 =	vor.u32 $0xFC0, v0;
	p0 =	seq.s32 s4, $0x1F;
	s7 =	simm.s32 $0x3;
	s8 =	sand.u32 $0x380, s9  }
0xd: {  	v26 =	vadd.s32 $0xFD1, v0;
	v27 =	vor.u32 $0xFD0, v0;
	v28 =	vadd.s32 $0xFE1, v0;
	s9 =	sadd.s32 $0x8080, s9;
	s12 =	sadd.s32 $0x101000, s12;
	s7 =	simm.s32 @!p0 $0x4  }
0xe: {  	v29 =	vor.u32 $0xFE0, v0;
	v30 =	vadd.s32 $0xFF1, v0;
	v31 =	vor.u32 $0xFF0, v0;
	s9 =	sand.u32 $0x380, s9;
	s10 =	smax.u32 s11, $0x1;
	s11 =	sor.u32 $0xFFFFFF80, s4  }
.LBB2_1:
0xf: {  	s18 =	smov.u32 s11;
	s19 =	simm.s32 $0x0  }
.LBB2_2:
0x10: {  	s20 =	sshll.u32 s19, $0x5  }
0x11: {  	s24 =	sor.u32 s4, s20  }
0x12: {  	s25 =	sadd.s32 $0xFFFFFF80, s24;
	s23 =	sadd.s32 $0xFFFFFF7F, s24  }
0x13: {  	s20 =	sadd.s32 $0xFFFFFEFF, s24;
	s22 =	smul.u32 s23, s25  }
0x14: {  	s21 =	smul.u32 s24, s20  }
0x15: {  	s26 =	sshrl.u32 s22, $0x1F  }
0x16: {  	p0 =	slt.s32 s24, $0x81;
	s23 =	sshrl.u32 s21, $0x1F;
	s22 =	sadd.s32 s26, s22  }
0x17: {  	s21 =	sadd.s32 s23, s21;
	s26 =	sshll.u32 s25, $0xC;
	s22 =	sshra.s32 s22, $0x1  }
0x18: {  	s20 =	sshll.u32 s24, $0xC;
	s21 =	sshra.s32 s21, $0x1;
	s22 =	ssub.s32 s26, s22  }
0x19: {  	s28 =	sshra.s32 s25, $0x1F;
	s21 =	sadd.s32 s20, s21;
	s22 =	sadd.s32 $0x7DFC0, s22  }
0x1a: {  	s29 =	sand.u32 s28, s25;
	s22 =	smov.u32 @p0 s21  }
0x1b: {  	s21 =	sadd.s32 s29, s22  }
0x1c: {  	s30 =	sadd.s32 $0x80, s21;
	s21 =	sand.u32 $0x7, s21  }
0x1d: {  	s31 =	sshra.s32 s30, $0x1F;
	p6 =	slt.s32 s30, $0x1;
	p1 =	sne.s32 s21, $0x0  }
0x1e: {  	s28 =	sshrl.u32 s31, $0x1D;
	p0 =	por !p6, !p1  }
0x1f: {  	s23 =	simm.s32 $0x1;
	s21 =	sadd.s32 s28, s30;
	p0 =	por !p0, !p0  }
0x20: {  	s21 =	sshra.s32 s21, $0x3;
	s23 =	simm.s32 @!p0 $0x0  }
0x21: {  	s23 =	ssub.s32 s21, s23  }
0x22: {  	s21 =	sand.u32 $0x1FFFFFFF, s23  }
0x23: {  	s21 =	sadd.s32 s6, s21  }
0x24: {  	[tilespmem:s3], [sflag:$0x1] =	stream.linear.gather [hbm4b:s21+s3], $0x1008, $0x38;
	[tilespmem:$0x2080] =	vst v63  }
0x25: {  	_ =	swait.ge [sflag:s13], $0x1008  }
0x26: {  	s24 =	ssub.s32 $0x80, s24;
	s29 =	sshll.u32 s23, $0x3;
	[sflag:s13] =	ssyncset.done $0x0  }
0x27: {  	p0 =	sgt.s32 s25, $0x0;
	s21 =	ssub.s32 s30, s29;
	[sflag:s13] =	ssyncadd.s32 $0xFFFFEFF8  }
0x28: {  	s25 =	simm.s32 @!p0 $0x0;
	p0 =	sgt.s32 s24, $0x0;
	v35 =	vld [tilespmem:s21+$0x0]  }
0x29: {  	s25 =	ssub.s32 $0x1000, s25;
	s24 =	simm.s32 @!p0 $0x0  }
0x2a: {  	v33 =	vmov s24;
	v34 =	vmov s25  }
0x2b: {  	vm0 =	vlt.u32 v33, v1;
	vm1 =	vgt.s32 v34, v0  }
0x2c: {  	vm0 =	vmand vm0, vm1  }
0x2d: {  	v35 =	vnsel vm0, $0x0, v35  }
0x2e: {  	[tilespmem:$0x1080] =	vst v35  }
0x2f: {  	v35 =	vld [tilespmem:s21+$0x10];
	_ =	sdelay $0x2  }
0x30: {  	vm14 =	vlt.u32 v33, v2;
	vm15 =	vgt.s32 v34, v3  }
0x31: {  	vm0 =	vmand vm14, vm15  }
0x32: {  	v35 =	vnsel vm0, $0x0, v35  }
0x33: {  	[tilespmem:$0x1090] =	vst v35  }
0x34: {  	v35 =	vld [tilespmem:s21+$0x20];
	_ =	sdelay $0x2  }
0x35: {  	vm4 =	vlt.u32 v33, v4;
	vm5 =	vgt.s32 v34, v5  }
0x36: {  	vm0 =	vmand vm4, vm5  }
0x37: {  	v35 =	vnsel vm0, $0x0, v35  }
0x38: {  	[tilespmem:$0x10A0] =	vst v35  }
0x39: {  	v35 =	vld [tilespmem:s21+$0x30];
	_ =	sdelay $0x2  }
0x3a: {  	vm6 =	vlt.u32 v33, v6;
	vm7 =	vgt.s32 v34, v7  }
0x3b: {  	vm0 =	vmand vm6, vm7  }
0x3c: {  	v35 =	vnsel vm0, $0x0, v35  }
0x3d: {  	[tilespmem:$0x10B0] =	vst v35  }
0x3e: {  	v35 =	vld [tilespmem:s21+$0x40];
	_ =	sdelay $0x2  }
0x3f: {  	vm8 =	vlt.u32 v33, v8;
	vm9 =	vgt.s32 v34, v9  }
0x40: {  	vm0 =	vmand vm8, vm9  }
0x41: {  	v35 =	vnsel vm0, $0x0, v35  }
0x42: {  	[tilespmem:$0x10C0] =	vst v35  }
0x43: {  	v35 =	vld [tilespmem:s21+$0x50];
	_ =	sdelay $0x2  }
0x44: {  	vm10 =	vlt.u32 v33, v10;
	vm11 =	vgt.s32 v34, v11  }
0x45: {  	vm0 =	vmand vm10, vm11  }
0x46: {  	v35 =	vnsel vm0, $0x0, v35  }
0x47: {  	[tilespmem:$0x10D0] =	vst v35  }
0x48: {  	v35 =	vld [tilespmem:s21+$0x60];
	_ =	sdelay $0x2  }
0x49: {  	vm12 =	vlt.u32 v33, v12;
	vm13 =	vgt.s32 v34, v13  }
0x4a: {  	vm0 =	vmand vm12, vm13  }
0x4b: {  	v35 =	vnsel vm0, $0x0, v35  }
0x4c: {  	[tilespmem:$0x10E0] =	vst v35  }
0x4d: {  	s30 =	sshra.s32 s18, $0x1F;
	v35 =	vld [tilespmem:s21+$0x70]  }
0x4e: {  	s24 =	sand.u32 s30, s18  }
0x4f: {  	s22 =	sadd.s32 s24, s22  }
0x50: {  	s23 =	sshll.u32 s23, $0x5;
	s22 =	sshll.u32 s22, $0x2;
	vm14 =	vlt.u32 v33, v14;
	vm15 =	vgt.s32 v34, v15  }
0x51: {  	s22 =	ssub.s32 s22, s23;
	vm0 =	vmand vm14, vm15  }
0x52: {  	s22 =	sshra.s32 s22, $0x2;
	v35 =	vnsel vm0, $0x0, v35  }
0x53: {  	s31 =	sadd.s32 $0x1F0, s22;
	[tilespmem:$0x10F0] =	vst v35  }
0x54: {  	v35 =	vld [tilespmem:s31+$0xFFFFFF10];
	_ =	sdelay $0x3  }
0x55: {  	s22 =	simm.s32 $0x1140  }
0x56: {  	[tilespmem:s22+$0xFFFFFFC0] =	vst v35  }
0x57: {  	v35 =	vld [tilespmem:s31+$0xFFFFFF20];
	_ =	sdelay $0x4  }
0x58: {  	[tilespmem:s22+$0xFFFFFFD0] =	vst v35  }
0x59: {  	v35 =	vld [tilespmem:s31+$0xFFFFFF30];
	_ =	sdelay $0x4  }
0x5a: {  	[tilespmem:s22+$0xFFFFFFE0] =	vst v35  }
0x5b: {  	v35 =	vld [tilespmem:s31+$0xFFFFFF40];
	_ =	sdelay $0x4  }
0x5c: {  	[tilespmem:s22+$0xFFFFFFF0] =	vst v35  }
0x5d: {  	v35 =	vld [tilespmem:s31+$0xFFFFFF50];
	_ =	sdelay $0x4  }
0x5e: {  	[tilespmem:s22+$0x0] =	vst v35  }
0x5f: {  	v35 =	vld [tilespmem:s31+$0xFFFFFF60];
	_ =	sdelay $0x4  }
0x60: {  	[tilespmem:s22+$0x10] =	vst v35  }
0x61: {  	v35 =	vld [tilespmem:s31+$0xFFFFFF70];
	_ =	sdelay $0x4  }
0x62: {  	[tilespmem:s22+$0x20] =	vst v35  }
0x63: {  	v35 =	vld [tilespmem:s31+$0xFFFFFF80];
	_ =	sdelay $0x4  }
0x64: {  	[tilespmem:s22+$0x30] =	vst v35  }
0x65: {  	v35 =	vld [tilespmem:s31+$0xFFFFFF90];
	_ =	sdelay $0x4  }
0x66: {  	[tilespmem:s22+$0x40] =	vst v35  }
0x67: {  	v35 =	vld [tilespmem:s31+$0xFFFFFFA0];
	_ =	sdelay $0x4  }
0x68: {  	[tilespmem:s22+$0x50] =	vst v35  }
0x69: {  	v35 =	vld [tilespmem:s31+$0xFFFFFFB0];
	_ =	sdelay $0x4  }
0x6a: {  	[tilespmem:s22+$0x60] =	vst v35  }
0x6b: {  	v35 =	vld [tilespmem:s31+$0xFFFFFFC0];
	_ =	sdelay $0x4  }
0x6c: {  	[tilespmem:s22+$0x70] =	vst v35  }
0x6d: {  	v35 =	vld [tilespmem:s31+$0xFFFFFFD0];
	_ =	sdelay $0x4  }
0x6e: {  	[tilespmem:s22+$0x80] =	vst v35  }
0x6f: {  	v35 =	vld [tilespmem:s31+$0xFFFFFFE0];
	_ =	sdelay $0x4  }
0x70: {  	[tilespmem:s22+$0x90] =	vst v35  }
0x71: {  	v35 =	vld [tilespmem:s31+$0xFFFFFFF0];
	_ =	sdelay $0x4  }
0x72: {  	[tilespmem:s22+$0xA0] =	vst v35  }
0x73: {  	v35 =	vld [tilespmem:s31+$0x0];
	_ =	sdelay $0x4  }
0x74: {  	s23 =	simm.s32 $0x8;
	s24 =	sadd.s32 $0x100, s31;
	[tilespmem:s22+$0xB0] =	vst v35  }
.LBB2_3:
0x75: {  	v35 =	vld [tilespmem:s24+$0xFFFFFF10];
	s23 =	sadd.s32 $0x10, s23  }
0x76: {  	p0 =	slt.u32 s23, $0xE8;
	_ =	sdelay $0x2  }
0x77: {  	s22 =	sadd.s32 $0x100, s22  }
0x78: {  	[tilespmem:s22+$0xFFFFFFC0] =	vst v35  }
0x79: {  	v35 =	vld [tilespmem:s24+$0xFFFFFF20];
	_ =	sdelay $0x4  }
0x7a: {  	[tilespmem:s22+$0xFFFFFFD0] =	vst v35  }
0x7b: {  	v35 =	vld [tilespmem:s24+$0xFFFFFF30];
	_ =	sdelay $0x4  }
0x7c: {  	[tilespmem:s22+$0xFFFFFFE0] =	vst v35  }
0x7d: {  	v35 =	vld [tilespmem:s24+$0xFFFFFF40];
	_ =	sdelay $0x4  }
0x7e: {  	[tilespmem:s22+$0xFFFFFFF0] =	vst v35  }
0x7f: {  	v35 =	vld [tilespmem:s24+$0xFFFFFF50];
	_ =	sdelay $0x4  }
0x80: {  	[tilespmem:s22+$0x0] =	vst v35  }
0x81: {  	v35 =	vld [tilespmem:s24+$0xFFFFFF60];
	_ =	sdelay $0x4  }
0x82: {  	[tilespmem:s22+$0x10] =	vst v35  }
0x83: {  	v35 =	vld [tilespmem:s24+$0xFFFFFF70];
	_ =	sdelay $0x4  }
0x84: {  	[tilespmem:s22+$0x20] =	vst v35  }
0x85: {  	v35 =	vld [tilespmem:s24+$0xFFFFFF80];
	_ =	sdelay $0x4  }
0x86: {  	[tilespmem:s22+$0x30] =	vst v35  }
0x87: {  	v35 =	vld [tilespmem:s24+$0xFFFFFF90];
	_ =	sdelay $0x4  }
0x88: {  	[tilespmem:s22+$0x40] =	vst v35  }
0x89: {  	v35 =	vld [tilespmem:s24+$0xFFFFFFA0];
	_ =	sdelay $0x4  }
0x8a: {  	[tilespmem:s22+$0x50] =	vst v35  }
0x8b: {  	v35 =	vld [tilespmem:s24+$0xFFFFFFB0];
	_ =	sdelay $0x4  }
0x8c: {  	[tilespmem:s22+$0x60] =	vst v35  }
0x8d: {  	v35 =	vld [tilespmem:s24+$0xFFFFFFC0];
	_ =	sdelay $0x4  }
0x8e: {  	[tilespmem:s22+$0x70] =	vst v35  }
0x8f: {  	v35 =	vld [tilespmem:s24+$0xFFFFFFD0];
	_ =	sdelay $0x4  }
0x90: {  	[tilespmem:s22+$0x80] =	vst v35  }
0x91: {  	v35 =	vld [tilespmem:s24+$0xFFFFFFE0];
	_ =	sdelay $0x4  }
0x92: {  	[tilespmem:s22+$0x90] =	vst v35  }
0x93: {  	v35 =	vld [tilespmem:s24+$0xFFFFFFF0];
	_ =	sdelay $0x4  }
0x94: {  	[tilespmem:s22+$0xA0] =	vst v35  }
0x95: {  	v35 =	vld [tilespmem:s24+$0x0]  }
.Ltmp0:
0x96: {  	(pc) =	sbr.rel @p0 .LBB2_3-.Ltmp0, $2  }
0x97: {  	_ =	sdelay $0x2  }
0x98: {  	s24 =	sadd.s32 $0x100, s24;
	[tilespmem:s22+$0xB0] =	vst v35  }
0x99: {  	v35 =	vld [tilespmem:s21+$0xF80];
	_ =	sdelay $0x2  }
0x9a: {  	vm0 =	vlt.u32 v33, v16;
	vm1 =	vgt.s32 v34, v17  }
0x9b: {  	vm0 =	vmand vm0, vm1  }
0x9c: {  	v35 =	vnsel vm0, $0x0, v35  }
0x9d: {  	[tilespmem:$0x2000] =	vst v35  }
0x9e: {  	v35 =	vld [tilespmem:s21+$0xF90];
	_ =	sdelay $0x2  }
0x9f: {  	vm14 =	vlt.u32 v33, v18;
	vm15 =	vgt.s32 v34, v19  }
0xa0: {  	vm0 =	vmand vm14, vm15  }
0xa1: {  	v35 =	vnsel vm0, $0x0, v35  }
0xa2: {  	[tilespmem:$0x2010] =	vst v35  }
0xa3: {  	v35 =	vld [tilespmem:s21+$0xFA0];
	_ =	sdelay $0x2  }
0xa4: {  	vm4 =	vlt.u32 v33, v20;
	vm5 =	vgt.s32 v34, v21  }
0xa5: {  	vm0 =	vmand vm4, vm5  }
0xa6: {  	v35 =	vnsel vm0, $0x0, v35  }
0xa7: {  	[tilespmem:$0x2020] =	vst v35  }
0xa8: {  	v35 =	vld [tilespmem:s21+$0xFB0];
	_ =	sdelay $0x2  }
0xa9: {  	vm6 =	vlt.u32 v33, v22;
	vm7 =	vgt.s32 v34, v23  }
0xaa: {  	vm0 =	vmand vm6, vm7  }
0xab: {  	v35 =	vnsel vm0, $0x0, v35  }
0xac: {  	[tilespmem:$0x2030] =	vst v35  }
0xad: {  	v35 =	vld [tilespmem:s21+$0xFC0];
	_ =	sdelay $0x2  }
0xae: {  	vm8 =	vlt.u32 v33, v24;
	vm9 =	vgt.s32 v34, v25  }
0xaf: {  	vm0 =	vmand vm8, vm9  }
0xb0: {  	v35 =	vnsel vm0, $0x0, v35  }
0xb1: {  	[tilespmem:$0x2040] =	vst v35  }
0xb2: {  	v35 =	vld [tilespmem:s21+$0xFD0];
	_ =	sdelay $0x2  }
0xb3: {  	vm10 =	vlt.u32 v33, v26;
	vm11 =	vgt.s32 v34, v27  }
0xb4: {  	vm0 =	vmand vm10, vm11  }
0xb5: {  	v35 =	vnsel vm0, $0x0, v35  }
0xb6: {  	[tilespmem:$0x2050] =	vst v35  }
0xb7: {  	v35 =	vld [tilespmem:s21+$0xFE0];
	_ =	sdelay $0x2  }
0xb8: {  	vm12 =	vlt.u32 v33, v28;
	vm13 =	vgt.s32 v34, v29  }
0xb9: {  	vm0 =	vmand vm12, vm13  }
0xba: {  	v35 =	vnsel vm0, $0x0, v35  }
0xbb: {  	[tilespmem:$0x2060] =	vst v35  }
0xbc: {  	v35 =	vld [tilespmem:s21+$0xFF0];
	_ =	sdelay $0x2  }
0xbd: {  	s20 =	sand.u32 $0xFFFF8000, s20;
	vm14 =	vlt.u32 v33, v30;
	vm15 =	vgt.s32 v34, v31  }
0xbe: {  	s19 =	sadd.s32 $0x1, s19;
	s20 =	sor.u32 s8, s20;
	vm0 =	vmand vm14, vm15  }
0xbf: {  	p0 =	sne.s32 s19, s5;
	s20 =	sshrl.u32 s20, $0x3;
	v63 =	vnsel vm0, $0x0, v35  }
.Ltmp1:
0xc0: {  	s20 =	sadd.s32 s1, s20;
	[tilespmem:$0x2070] =	vst v63;
	(pc) =	sbr.rel @p0 .LBB2_2-.Ltmp1, $4  }
0xc1: {  	[hbm4b:s20+s14] =	stream.strided.scatter [tilespmem:s16], [sflag:$0x1], $0x1000, s15, s14, $0x38;
	[tilespmem:$0x2080] =	vst v63  }
0xc2: {  	_ =	swait.ge [sflag:s13], $0x1000  }
0xc3: {  	[sflag:s13] =	ssyncset.done $0x0  }
0xc4: {  	s18 =	sadd.s32 $0x20, s18;
	[sflag:s13] =	ssyncadd.s32 $0xFFFFF000  }
0xc5: {  	s18 =	simm.s32 $0x1100  }
0xc6: {  	[tilespmem:s18+$0xFFFFFF80] =	vst v32  }
0xc7: {  	[tilespmem:s18+$0x70] =	vst v32  }
0xc8: {  	[tilespmem:s18+$0x60] =	vst v32  }
0xc9: {  	[tilespmem:s18+$0x50] =	vst v32  }
0xca: {  	[tilespmem:s18+$0x40] =	vst v32  }
0xcb: {  	[tilespmem:s18+$0x30] =	vst v32  }
0xcc: {  	[tilespmem:s18+$0x20] =	vst v32  }
0xcd: {  	[tilespmem:s18+$0x10] =	vst v32  }
0xce: {  	[tilespmem:s18+$0x0] =	vst v32  }
0xcf: {  	[tilespmem:s18+$0xFFFFFFF0] =	vst v32  }
0xd0: {  	[tilespmem:s18+$0xFFFFFFE0] =	vst v32  }
0xd1: {  	[tilespmem:s18+$0xFFFFFFD0] =	vst v32  }
0xd2: {  	[tilespmem:s18+$0xFFFFFFC0] =	vst v32  }
0xd3: {  	[tilespmem:s18+$0xFFFFFFB0] =	vst v32  }
0xd4: {  	s19 =	simm.s32 $0x0;
	[tilespmem:s18+$0xFFFFFFA0] =	vst v32  }
.LBB2_6:
0xd5: {  	s19 =	sadd.s32 $0x10, s19;
	[tilespmem:s18+$0xFFFFFF90] =	vst v32;
	s18 =	sadd.s32 $0x100, s18  }
0xd6: {  	[tilespmem:s18+$0xFFFFFF80] =	vst v32;
	p0 =	slt.u32 s19, $0xF0  }
0xd7: {  	[tilespmem:s18+$0x70] =	vst v32  }
0xd8: {  	[tilespmem:s18+$0x60] =	vst v32  }
0xd9: {  	[tilespmem:s18+$0x50] =	vst v32  }
0xda: {  	[tilespmem:s18+$0x40] =	vst v32  }
0xdb: {  	[tilespmem:s18+$0x30] =	vst v32  }
0xdc: {  	[tilespmem:s18+$0x20] =	vst v32  }
0xdd: {  	[tilespmem:s18+$0x10] =	vst v32  }
0xde: {  	[tilespmem:s18+$0x0] =	vst v32  }
0xdf: {  	[tilespmem:s18+$0xFFFFFFF0] =	vst v32  }
.Ltmp2:
0xe0: {  	[tilespmem:s18+$0xFFFFFFE0] =	vst v32;
	(pc) =	sbr.rel @p0 .LBB2_6-.Ltmp2, $4  }
0xe1: {  	[tilespmem:s18+$0xFFFFFFD0] =	vst v32  }
0xe2: {  	[tilespmem:s18+$0xFFFFFFC0] =	vst v32  }
0xe3: {  	[tilespmem:s18+$0xFFFFFFB0] =	vst v32  }
0xe4: {  	[tilespmem:s18+$0xFFFFFFA0] =	vst v32  }
0xe5: {  	p0 =	sne.s32 s7, $0x1  }
.Ltmp3:
0xe6: {  	s19 =	sand.u32 $0xFFFF8000, s12;
	(pc) =	sbr.rel @!p0 .LBB2_9-.Ltmp3, $4  }
0xe7: {  	s19 =	sor.u32 s9, s19  }
0xe8: {  	s19 =	sshrl.u32 s19, $0x3  }
0xe9: {  	[tilespmem:s18+$0xFFFFFF90] =	vst v32;
	s18 =	sadd.s32 $0x20000, s12;
	s31 =	sadd.s32 s1, s19;
	s19 =	sadd.s32 $0xFFFFFFFF, s7  }
0xea: {  	[hbm4b:s31+s14] =	stream.strided.scatter [tilespmem:s16], [sflag:$0x1], $0x1000, s15, s14, $0x38;
	[tilespmem:$0x2080] =	vst v63  }
.LBB2_8:
0xeb: {  	s20 =	sand.u32 $0xFFFF8000, s18;
	p0 =	sne.s32 s19, $0x1  }
.Ltmp4:
0xec: {  	s20 =	sor.u32 s9, s20;
	(pc) =	sbr.rel @p0 .LBB2_8-.Ltmp4, $4  }
0xed: {  	s20 =	sshrl.u32 s20, $0x3;
	_ =	swait.ge [sflag:s13], $0x1000  }
0xee: {  	s18 =	sadd.s32 $0x20000, s18;
	s20 =	sadd.s32 s1, s20;
	[sflag:s13] =	ssyncset.done $0x0  }
0xef: {  	s19 =	sadd.s32 $0xFFFFFFFF, s19;
	[sflag:s13] =	ssyncadd.s32 $0xFFFFF000  }
0xf0: {  	[hbm4b:s20+s14] =	stream.strided.scatter [tilespmem:s16], [sflag:$0x1], $0x1000, s15, s14, $0x38;
	[tilespmem:$0x2080] =	vst v63  }
.LBB2_9:
0xf1: {  	s17 =	sadd.s32 $0x1, s17  }
0xf2: {  	p0 =	sne.s32 s17, s10  }
.Ltmp5:
0xf3: {  	_ = 	snop;
	(pc) =	sbr.rel @p0 .LBB2_1-.Ltmp5, $4  }
0xf4: {  	_ = 	snop  }
0xf5: {  	_ =	swait.ge [sflag:s13], $0x1000  }
0xf6: {  	[sflag:s13] =	ssyncset.done $0x0  }
0xf7: {  	[sflag:s13] =	ssyncadd.s32 $0xFFFFF000  }
0xf8: {  	_ =	sfence.sel $0x180000  }
0xf9: {  	[bflag:$0x0] =	sbarrier.arrive $0xFFFF  }
0xfa: {  	p0 =	sne.s32 s2, $0x0;
	_ =	strace $0x90000047  }
0xfb: {  	s0 =	sadd.s32 @!p0 $0x100000, s0;
	[bflag:$0x2] =	sbarrier.arrive $0xFFFF  }
0xfc: {  	[sflag:s0] =	ssyncadd.tile.s32 @!p0 $0x1;
	_ =	shalt  }
.Lfunc_end2:
_tile_overlayer_lowered:
.L_overlay_start_2:
0xfd: {  	(tag) =	ssettag $0x2  }
0xfe: {  	s0 =	rddreg [dreg:$0x0];
	s2 =	stileid.u32  }
0xff: {  	s1 =	rddreg [dreg:$0x1];
	p0 =	sne.s32 s2, $0x0  }
0x100: {  	s3 =	rddreg [dreg:$0x2];
	[bflag:$0x3] =	sbarrier.arrive $0xFFFF;
	s2 =	simm.s32 @!p0 $0x1C01  }
0x101: {  	[timem:s3], [sflag:s2] =	dma.local @!p0 [hbm:s0], s1  }
0x102: {  	s0 =	simm.s32 @!p0 $0x1  }
0x103: {  	_ =	swait.ge @!p0 [sflag:s0], s1  }
0x104: {  	s1 =	ssub.s32 @!p0 $0x0, s1;
	[sflag:s0] =	ssyncset.done @!p0 $0x0  }
0x105: {  	[sflag:s0] =	ssyncadd.s32 @!p0 s1  }
0x106: {  	[bflag:$0x3] =	sbarrier.arrive $0xFFFF  }
0x107: {  	_ =	shalt  }

</sc_bundles>
